<compile_context>
chip_gen: v7x
topology: tpu7x:2x2x1
jax: 0.10.2.dev20260603
libtpu: 0.0.44.dev20260713+nightly
codegen_flags: <defaults>
</compile_context>

<pallas_src>
import functools

import jax
import jax.numpy as jnp
from jax import lax
from jax.experimental import pallas as pl
from jax.experimental.pallas import tpu as pltpu
from jax.experimental.pallas import tpu_sc as plsc

N_NODES = 10000
N_EDGES = 320000
D = 128
D_HID = 16
CH = 96
NC, NS = 2, 16
CPT = 108
NCHUNK = NC * NS * CPT
PAD_E = NCHUNK * CH - N_EDGES
NDUMMY = 96
AROWS = N_NODES + NDUMMY
RPT = 624
TAIL0 = NS * RPT
TAILN = N_NODES - TAIL0
DEPTH = 4


def _sc_agg_body(x_hbm, src_hbm, dst_hbm, zeros_hbm, out_hbm, *scr):
    sidx = scr[0:DEPTH]
    didx = scr[DEPTH:2 * DEPTH]
    rows = scr[2 * DEPTH:3 * DEPTH]
    agg = scr[3 * DEPTH]
    isem = scr[3 * DEPTH + 1:4 * DEPTH + 1]
    gsem = scr[4 * DEPTH + 1:5 * DEPTH + 1]

    c = lax.axis_index("c")
    s = lax.axis_index("s")
    r0 = s * RPT
    g0 = (c * NS + s) * CPT

    @pl.when(c == 0)
    def _():
        pltpu.sync_copy(x_hbm.at[pl.ds(r0, RPT)], agg.at[pl.ds(r0, RPT)])

        @pl.when(s == NS - 1)
        def _():
            pltpu.sync_copy(x_hbm.at[pl.ds(TAIL0, TAILN)],
                            agg.at[pl.ds(TAIL0, TAILN)])

    @pl.when(c != 0)
    def _():
        pltpu.sync_copy(zeros_hbm.at[pl.ds(r0, RPT)], agg.at[pl.ds(r0, RPT)])

        @pl.when(s == NS - 1)
        def _():
            pltpu.sync_copy(zeros_hbm.at[pl.ds(TAIL0, TAILN)],
                            agg.at[pl.ds(TAIL0, TAILN)])

    def _islice(hbm, j):
        return hbm.at[pl.ds((g0 + j) * CH, CH)]

    def issue_idx(j, b):
        pltpu.async_copy(_islice(src_hbm, j), sidx[b], isem[b])
        pltpu.async_copy(_islice(dst_hbm, j), didx[b], isem[b])

    def wait_idx(j, b):
        pltpu.make_async_copy(_islice(src_hbm, j), sidx[b], isem[b]).wait()
        pltpu.make_async_copy(_islice(dst_hbm, j), didx[b], isem[b]).wait()

    def issue_gather(b):
        pltpu.async_copy(x_hbm.at[sidx[b]], rows[b], gsem[b])

    def wait_gather(b):
        pltpu.make_async_copy(x_hbm.at[sidx[b]], rows[b], gsem[b]).wait()

    def scatter(b):
        pltpu.sync_copy(rows[b], agg.at[didx[b]], add=True)

    for b in range(DEPTH):
        issue_idx(b, b)
    for b in range(DEPTH - 1):
        wait_idx(b, b)
        issue_gather(b)

    plsc.subcore_barrier()

    def step(j, b):
        wait_gather(b)
        scatter(b)
        wait_idx(j + DEPTH - 1, (b + DEPTH - 1) % DEPTH)
        issue_gather((b + DEPTH - 1) % DEPTH)
        issue_idx(j + DEPTH, b)

    def body(p, carry):
        j = p * DEPTH
        for b in range(DEPTH):
            step(j + b, b)
        return carry

    lax.fori_loop(0, (CPT - DEPTH) // DEPTH, body, 0)

    jd = CPT - DEPTH
    b0 = jd % DEPTH
    wait_gather(b0)
    scatter(b0)
    wait_idx(CPT - 1, (b0 + DEPTH - 1) % DEPTH)
    issue_gather((b0 + DEPTH - 1) % DEPTH)
    for k in range(1, DEPTH):
        wait_gather((b0 + k) % DEPTH)
        scatter((b0 + k) % DEPTH)

    plsc.subcore_barrier()
    pltpu.sync_copy(agg.at[pl.ds(r0, RPT)], out_hbm.at[c, pl.ds(r0, RPT)])

    @pl.when(s == NS - 1)
    def _():
        pltpu.sync_copy(agg.at[pl.ds(TAIL0, TAILN)],
                        out_hbm.at[c, pl.ds(TAIL0, TAILN)])


_sc_agg = pl.kernel(
    _sc_agg_body,
    out_type=jax.ShapeDtypeStruct((NC, N_NODES, D), jnp.float32),
    mesh=plsc.VectorSubcoreMesh(
        core_axis_name="c", subcore_axis_name="s",
        num_cores=NC, num_subcores=NS),
    scratch_types=(
        [pltpu.VMEM((CH,), jnp.int32) for _ in range(2 * DEPTH)]
        + [pltpu.VMEM((CH, D), jnp.float32) for _ in range(DEPTH)]
        + [pltpu.VMEM_SHARED((AROWS, D), jnp.float32)]
        + [pltpu.SemaphoreType.DMA for _ in range(2 * DEPTH)]
    ),
)


def _mlp_body(p_ref, wa_ref, ba_ref, wb_ref, bb_ref, o_ref, *, relu_out):
    h = p_ref[0] + p_ref[1]
    t = jnp.dot(h, wa_ref[...], preferred_element_type=jnp.float32)
    t = jnp.maximum(t + ba_ref[...], 0.0)
    y = jnp.dot(t, wb_ref[...], preferred_element_type=jnp.float32)
    y = y + bb_ref[...]
    if relu_out:
        y = jnp.maximum(y, 0.0)
    o_ref[...] = y


def _mlp(p, wa, ba, wb, bb, relu_out):
    B = 2000
    return pl.pallas_call(
        functools.partial(_mlp_body, relu_out=relu_out),
        grid=(N_NODES // B,),
        in_specs=[
            pl.BlockSpec((NC, B, D), lambda i: (0, i, 0)),
            pl.BlockSpec((D, D_HID), lambda i: (0, 0)),
            pl.BlockSpec((1, D_HID), lambda i: (0, 0)),
            pl.BlockSpec((D_HID, D), lambda i: (0, 0)),
            pl.BlockSpec((1, D), lambda i: (0, 0)),
        ],
        out_specs=pl.BlockSpec((B, D), lambda i: (i, 0)),
        out_shape=jax.ShapeDtypeStruct((N_NODES, D), jnp.float32),
    )(p, wa, ba.reshape(1, D_HID), wb, bb.reshape(1, D))


def kernel(x, edge_index, W1a, b1a, W1b, b1b, W2a, b2a, W2b, b2b):
    ei = edge_index.astype(jnp.int32)
    src = jnp.concatenate(
        [ei[0], jnp.arange(PAD_E, dtype=jnp.int32) % N_NODES])
    dst = jnp.concatenate(
        [ei[1], N_NODES + (jnp.arange(PAD_E, dtype=jnp.int32) % NDUMMY)])
    zeros = jnp.zeros((N_NODES, D), jnp.float32)
    p1 = _sc_agg(x, src, dst, zeros)
    h = _mlp(p1, W1a, b1a, W1b, b1b, True)
    p2 = _sc_agg(h, src, dst, zeros)
    return _mlp(p2, W2a, b2a, W2b, b2b, False)

# --- scband reference (transcript-rebuilt; emitter-appended) ---
"""Pipeline reference for scband-gin-37426345017678 (READ-ONLY COPY).

The authoritative reference and input builder live on the scoring server;
editing this copy changes nothing except your own understanding.
"""

import jax, jax.numpy as jnp
import numpy as np

N_NODES = 10000
N_EDGES = 320000
D_IN = 128
D_OUT = 128
D_HID = 16
EPS = 0.0


def setup_inputs(seed: int = 0) -> dict:
    key = jax.random.key(seed)
    ks = jax.random.split(key, 10)
    x = jax.random.normal(ks[0], (N_NODES, D_IN), dtype=jnp.float32)
    edge_index = jax.random.randint(ks[1], (2, N_EDGES), 0, N_NODES, dtype=jnp.int64)
    def lin_init(k, fan_in, fan_out):
        bound = 1.0 / np.sqrt(fan_in)
        kw, kb = jax.random.split(k)
        W = jax.random.uniform(kw, (fan_in, fan_out), minval=-bound, maxval=bound, dtype=jnp.float32)
        b = jax.random.uniform(kb, (fan_out,), minval=-bound, maxval=bound, dtype=jnp.float32)
        return W, b
    W1a, b1a = lin_init(ks[2], D_IN, D_HID)
    W1b, b1b = lin_init(ks[3], D_HID, D_OUT)
    W2a, b2a = lin_init(ks[4], D_OUT, D_HID)
    W2b, b2b = lin_init(ks[5], D_HID, D_OUT)
    return {"x": x, "edge_index": edge_index,
            "W1a": W1a, "b1a": b1a, "W1b": W1b, "b1b": b1b,
            "W2a": W2a, "b2a": b2a, "W2b": W2b, "b2b": b2b}


def _gin_conv(x, edge_index, Wa, ba, Wb, bb):
    src = edge_index[0]
    dst = edge_index[1]
    # sum aggregation of messages x[src] into dst nodes (scatter-add)
    agg = jax.ops.segment_sum(jnp.take(x, src, axis=0), dst, num_segments=N_NODES)
    h = (1.0 + EPS) * x + agg
    # MLP: Linear -> ReLU -> Linear
    h = jax.nn.relu(h @ Wa + ba)
    h = h @ Wb + bb
    return h


def reference(x, edge_index, W1a, b1a, W1b, b1b, W2a, b2a, W2b, b2b):
    h = _gin_conv(x, edge_index, W1a, b1a, W1b, b1b)
    h = jax.nn.relu(h)
    out = _gin_conv(h, edge_index, W2a, b2a, W2b, b2b)
    return out

if __name__ == "__main__":
    import jax
    _d = setup_inputs()
    print(jax.jit(kernel)(*tuple(_d.values())))

</pallas_src>

<mosaic_0001>
#map = affine_map<(d0, d1) -> (0, 0)>
#map1 = affine_map<(d0, d1) -> (0)>
#map2 = affine_map<(d0, d1) -> (0, 0, 0)>
module attributes {stable_mosaic.version = 14 : i64} {
  func.func @_sc_agg_body(%arg0: i32, %arg1: i32, %arg2: memref<10000x128xf32, #tpu.memory_space<hbm>>, %arg3: memref<331776xi32, #tpu.memory_space<hbm>>, %arg4: memref<331776xi32, #tpu.memory_space<hbm>>, %arg5: memref<10000x128xf32, #tpu.memory_space<hbm>>, %arg6: memref<2x10000x128xf32, #tpu.memory_space<hbm>>, %arg7: memref<96xi32, #tpu.memory_space<vmem>>, %arg8: memref<96xi32, #tpu.memory_space<vmem>>, %arg9: memref<96xi32, #tpu.memory_space<vmem>>, %arg10: memref<96xi32, #tpu.memory_space<vmem>>, %arg11: memref<96xi32, #tpu.memory_space<vmem>>, %arg12: memref<96xi32, #tpu.memory_space<vmem>>, %arg13: memref<96xi32, #tpu.memory_space<vmem>>, %arg14: memref<96xi32, #tpu.memory_space<vmem>>, %arg15: memref<96x128xf32, #tpu.memory_space<vmem>>, %arg16: memref<96x128xf32, #tpu.memory_space<vmem>>, %arg17: memref<96x128xf32, #tpu.memory_space<vmem>>, %arg18: memref<96x128xf32, #tpu.memory_space<vmem>>, %arg19: memref<10096x128xf32, #tpu.memory_space<vmem_shared>>, %arg20: memref<!tpu.dma_semaphore, #tpu.memory_space<semaphore_mem>>, %arg21: memref<!tpu.dma_semaphore, #tpu.memory_space<semaphore_mem>>, %arg22: memref<!tpu.dma_semaphore, #tpu.memory_space<semaphore_mem>>, %arg23: memref<!tpu.dma_semaphore, #tpu.memory_space<semaphore_mem>>, %arg24: memref<!tpu.dma_semaphore, #tpu.memory_space<semaphore_mem>>, %arg25: memref<!tpu.dma_semaphore, #tpu.memory_space<semaphore_mem>>, %arg26: memref<!tpu.dma_semaphore, #tpu.memory_space<semaphore_mem>>, %arg27: memref<!tpu.dma_semaphore, #tpu.memory_space<semaphore_mem>>) attributes {dimension_semantics = [#tpu.dimension_semantics<core_parallel>, #tpu.dimension_semantics<subcore_parallel>], iteration_bounds = array<i64: 2, 16>, scalar_prefetch = 0 : i64, scratch_operands = 21 : i64, tpu.core_type = #tpu.core_type<sc_vector_subcore>, window_params = [{transform_indices = #map}, {transform_indices = #map1}, {transform_indices = #map1}, {transform_indices = #map}, {transform_indices = #map2}]} {
    %mul3A = arith.constant 624 : i32
    %mul3A_0 = arith.muli %arg1, %mul3A : i32
    %mul3A_1 = arith.constant 16 : i32
    %mul3A_2 = arith.muli %arg0, %mul3A_1 : i32
    %add3A = arith.addi %mul3A_2, %arg1 : i32
    %mul3A_3 = arith.constant 108 : i32
    %mul3A_4 = arith.muli %add3A, %mul3A_3 : i32
    %eq3A = arith.constant 0 : i32
    %eq3A_5 = arith.cmpi eq, %arg0, %eq3A : i32
    %convert_element_type3A = arith.extui %eq3A_5 : i1 to i32
    %cond3A = arith.constant 0 : i32
    %cond3A_6 = arith.cmpi ne, %convert_element_type3A, %cond3A : i32
    scf.if %cond3A_6 {
      "tpu.region"() ({
        %run_scoped3A = tpu.sem_alloc : memref<!tpu.dma_semaphore, #tpu.memory_space<semaphore_mem>>
        %dma_start3A_145 = arith.constant 0 : i32
        %dma_start3A_146 = tpu.memref_slice %arg19[%mul3A_0, %dma_start3A_145] : memref<10096x128xf32, #tpu.memory_space<vmem_shared>> -> memref<624x128xf32, #tpu.memory_space<vmem_shared>>
        %dma_start3A_147 = arith.constant 0 : i32
        %dma_start3A_148 = tpu.memref_slice %arg2[%mul3A_0, %dma_start3A_147] : memref<10000x128xf32, #tpu.memory_space<hbm>> -> memref<624x128xf32, #tpu.memory_space<hbm>>
        tpu.enqueue_dma source(%dma_start3A_148 : memref<624x128xf32, #tpu.memory_space<hbm>>) target(%dma_start3A_146 : memref<624x128xf32, #tpu.memory_space<vmem_shared>>) target_semaphore(%run_scoped3A : memref<!tpu.dma_semaphore, #tpu.memory_space<semaphore_mem>>)
        %dma_wait3A_149 = arith.constant 0 : i32
        %dma_wait3A_150 = tpu.memref_slice %arg19[%mul3A_0, %dma_wait3A_149] : memref<10096x128xf32, #tpu.memory_space<vmem_shared>> -> memref<624x128xf32, #tpu.memory_space<vmem_shared>>
        %dma_wait3A_151 = arith.constant 0 : i32
        %dma_wait3A_152 = tpu.memref_slice %arg2[%mul3A_0, %dma_wait3A_151] : memref<10000x128xf32, #tpu.memory_space<hbm>> -> memref<624x128xf32, #tpu.memory_space<hbm>>
        tpu.wait_dma2 semaphore(%run_scoped3A : memref<!tpu.dma_semaphore, #tpu.memory_space<semaphore_mem>>) src(%dma_wait3A_152 : memref<624x128xf32, #tpu.memory_space<hbm>>) dst(%dma_wait3A_150 : memref<624x128xf32, #tpu.memory_space<vmem_shared>>)
        tpu.yield
      }) : () -> ()
      %eq3A_140 = arith.constant 15 : i32
      %eq3A_141 = arith.cmpi eq, %arg1, %eq3A_140 : i32
      %convert_element_type3A_142 = arith.extui %eq3A_141 : i1 to i32
      %cond3A_143 = arith.constant 0 : i32
      %cond3A_144 = arith.cmpi ne, %convert_element_type3A_142, %cond3A_143 : i32
      scf.if %cond3A_144 {
        "tpu.region"() ({
          %run_scoped3A = tpu.sem_alloc : memref<!tpu.dma_semaphore, #tpu.memory_space<semaphore_mem>>
          %dma_start3A_145 = arith.constant 9984 : i32
          %dma_start3A_146 = arith.constant 0 : i32
          %dma_start3A_147 = tpu.memref_slice %arg19[%dma_start3A_145, %dma_start3A_146] : memref<10096x128xf32, #tpu.memory_space<vmem_shared>> -> memref<16x128xf32, #tpu.memory_space<vmem_shared>>
          %dma_start3A_148 = arith.constant 9984 : i32
          %dma_start3A_149 = arith.constant 0 : i32
          %dma_start3A_150 = tpu.memref_slice %arg2[%dma_start3A_148, %dma_start3A_149] : memref<10000x128xf32, #tpu.memory_space<hbm>> -> memref<16x128xf32, #tpu.memory_space<hbm>>
          tpu.enqueue_dma source(%dma_start3A_150 : memref<16x128xf32, #tpu.memory_space<hbm>>) target(%dma_start3A_147 : memref<16x128xf32, #tpu.memory_space<vmem_shared>>) target_semaphore(%run_scoped3A : memref<!tpu.dma_semaphore, #tpu.memory_space<semaphore_mem>>)
          %dma_wait3A_151 = arith.constant 9984 : i32
          %dma_wait3A_152 = arith.constant 0 : i32
          %dma_wait3A_153 = tpu.memref_slice %arg19[%dma_wait3A_151, %dma_wait3A_152] : memref<10096x128xf32, #tpu.memory_space<vmem_shared>> -> memref<16x128xf32, #tpu.memory_space<vmem_shared>>
          %dma_wait3A_154 = arith.constant 9984 : i32
          %dma_wait3A_155 = arith.constant 0 : i32
          %dma_wait3A_156 = tpu.memref_slice %arg2[%dma_wait3A_154, %dma_wait3A_155] : memref<10000x128xf32, #tpu.memory_space<hbm>> -> memref<16x128xf32, #tpu.memory_space<hbm>>
          tpu.wait_dma2 semaphore(%run_scoped3A : memref<!tpu.dma_semaphore, #tpu.memory_space<semaphore_mem>>) src(%dma_wait3A_156 : memref<16x128xf32, #tpu.memory_space<hbm>>) dst(%dma_wait3A_153 : memref<16x128xf32, #tpu.memory_space<vmem_shared>>)
          tpu.yield
        }) : () -> ()
      } else {
      }
    } else {
    }
    %ne3A = arith.constant 0 : i32
    %ne3A_7 = arith.cmpi ne, %arg0, %ne3A : i32
    %convert_element_type3A_8 = arith.extui %ne3A_7 : i1 to i32
    %cond3A_9 = arith.constant 0 : i32
    %cond3A_10 = arith.cmpi ne, %convert_element_type3A_8, %cond3A_9 : i32
    scf.if %cond3A_10 {
      "tpu.region"() ({
        %run_scoped3A = tpu.sem_alloc : memref<!tpu.dma_semaphore, #tpu.memory_space<semaphore_mem>>
        %dma_start3A_145 = arith.constant 0 : i32
        %dma_start3A_146 = tpu.memref_slice %arg19[%mul3A_0, %dma_start3A_145] : memref<10096x128xf32, #tpu.memory_space<vmem_shared>> -> memref<624x128xf32, #tpu.memory_space<vmem_shared>>
        %dma_start3A_147 = arith.constant 0 : i32
        %dma_start3A_148 = tpu.memref_slice %arg5[%mul3A_0, %dma_start3A_147] : memref<10000x128xf32, #tpu.memory_space<hbm>> -> memref<624x128xf32, #tpu.memory_space<hbm>>
        tpu.enqueue_dma source(%dma_start3A_148 : memref<624x128xf32, #tpu.memory_space<hbm>>) target(%dma_start3A_146 : memref<624x128xf32, #tpu.memory_space<vmem_shared>>) target_semaphore(%run_scoped3A : memref<!tpu.dma_semaphore, #tpu.memory_space<semaphore_mem>>)
        %dma_wait3A_149 = arith.constant 0 : i32
        %dma_wait3A_150 = tpu.memref_slice %arg19[%mul3A_0, %dma_wait3A_149] : memref<10096x128xf32, #tpu.memory_space<vmem_shared>> -> memref<624x128xf32, #tpu.memory_space<vmem_shared>>
        %dma_wait3A_151 = arith.constant 0 : i32
        %dma_wait3A_152 = tpu.memref_slice %arg5[%mul3A_0, %dma_wait3A_151] : memref<10000x128xf32, #tpu.memory_space<hbm>> -> memref<624x128xf32, #tpu.memory_space<hbm>>
        tpu.wait_dma2 semaphore(%run_scoped3A : memref<!tpu.dma_semaphore, #tpu.memory_space<semaphore_mem>>) src(%dma_wait3A_152 : memref<624x128xf32, #tpu.memory_space<hbm>>) dst(%dma_wait3A_150 : memref<624x128xf32, #tpu.memory_space<vmem_shared>>)
        tpu.yield
      }) : () -> ()
      %eq3A_140 = arith.constant 15 : i32
      %eq3A_141 = arith.cmpi eq, %arg1, %eq3A_140 : i32
      %convert_element_type3A_142 = arith.extui %eq3A_141 : i1 to i32
      %cond3A_143 = arith.constant 0 : i32
      %cond3A_144 = arith.cmpi ne, %convert_element_type3A_142, %cond3A_143 : i32
      scf.if %cond3A_144 {
        "tpu.region"() ({
          %run_scoped3A = tpu.sem_alloc : memref<!tpu.dma_semaphore, #tpu.memory_space<semaphore_mem>>
          %dma_start3A_145 = arith.constant 9984 : i32
          %dma_start3A_146 = arith.constant 0 : i32
          %dma_start3A_147 = tpu.memref_slice %arg19[%dma_start3A_145, %dma_start3A_146] : memref<10096x128xf32, #tpu.memory_space<vmem_shared>> -> memref<16x128xf32, #tpu.memory_space<vmem_shared>>
          %dma_start3A_148 = arith.constant 9984 : i32
          %dma_start3A_149 = arith.constant 0 : i32
          %dma_start3A_150 = tpu.memref_slice %arg5[%dma_start3A_148, %dma_start3A_149] : memref<10000x128xf32, #tpu.memory_space<hbm>> -> memref<16x128xf32, #tpu.memory_space<hbm>>
          tpu.enqueue_dma source(%dma_start3A_150 : memref<16x128xf32, #tpu.memory_space<hbm>>) target(%dma_start3A_147 : memref<16x128xf32, #tpu.memory_space<vmem_shared>>) target_semaphore(%run_scoped3A : memref<!tpu.dma_semaphore, #tpu.memory_space<semaphore_mem>>)
          %dma_wait3A_151 = arith.constant 9984 : i32
          %dma_wait3A_152 = arith.constant 0 : i32
          %dma_wait3A_153 = tpu.memref_slice %arg19[%dma_wait3A_151, %dma_wait3A_152] : memref<10096x128xf32, #tpu.memory_space<vmem_shared>> -> memref<16x128xf32, #tpu.memory_space<vmem_shared>>
          %dma_wait3A_154 = arith.constant 9984 : i32
          %dma_wait3A_155 = arith.constant 0 : i32
          %dma_wait3A_156 = tpu.memref_slice %arg5[%dma_wait3A_154, %dma_wait3A_155] : memref<10000x128xf32, #tpu.memory_space<hbm>> -> memref<16x128xf32, #tpu.memory_space<hbm>>
          tpu.wait_dma2 semaphore(%run_scoped3A : memref<!tpu.dma_semaphore, #tpu.memory_space<semaphore_mem>>) src(%dma_wait3A_156 : memref<16x128xf32, #tpu.memory_space<hbm>>) dst(%dma_wait3A_153 : memref<16x128xf32, #tpu.memory_space<vmem_shared>>)
          tpu.yield
        }) : () -> ()
      } else {
      }
    } else {
    }
    %add3A_11 = arith.constant 0 : i32
    %add3A_12 = arith.addi %mul3A_4, %add3A_11 : i32
    %mul3A_13 = arith.constant 96 : i32
    %mul3A_14 = arith.muli %add3A_12, %mul3A_13 : i32
    %dma_start3A = tpu.memref_slice %arg3[%mul3A_14] : memref<331776xi32, #tpu.memory_space<hbm>> -> memref<96xi32, #tpu.memory_space<hbm>>
    %dma_start3A_15 = tpu.memref_slice %arg3[%mul3A_14] : memref<331776xi32, #tpu.memory_space<hbm>> -> memref<96xi32, #tpu.memory_space<hbm>>
    tpu.enqueue_dma source(%dma_start3A_15 : memref<96xi32, #tpu.memory_space<hbm>>) target(%arg7 : memref<96xi32, #tpu.memory_space<vmem>>) target_semaphore(%arg20 : memref<!tpu.dma_semaphore, #tpu.memory_space<semaphore_mem>>)
    %add3A_16 = arith.constant 0 : i32
    %add3A_17 = arith.addi %mul3A_4, %add3A_16 : i32
    %mul3A_18 = arith.constant 96 : i32
    %mul3A_19 = arith.muli %add3A_17, %mul3A_18 : i32
    %dma_start3A_20 = tpu.memref_slice %arg4[%mul3A_19] : memref<331776xi32, #tpu.memory_space<hbm>> -> memref<96xi32, #tpu.memory_space<hbm>>
    %dma_start3A_21 = tpu.memref_slice %arg4[%mul3A_19] : memref<331776xi32, #tpu.memory_space<hbm>> -> memref<96xi32, #tpu.memory_space<hbm>>
    tpu.enqueue_dma source(%dma_start3A_21 : memref<96xi32, #tpu.memory_space<hbm>>) target(%arg11 : memref<96xi32, #tpu.memory_space<vmem>>) target_semaphore(%arg20 : memref<!tpu.dma_semaphore, #tpu.memory_space<semaphore_mem>>)
    %add3A_22 = arith.constant 1 : i32
    %add3A_23 = arith.addi %mul3A_4, %add3A_22 : i32
    %mul3A_24 = arith.constant 96 : i32
    %mul3A_25 = arith.muli %add3A_23, %mul3A_24 : i32
    %dma_start3A_26 = tpu.memref_slice %arg3[%mul3A_25] : memref<331776xi32, #tpu.memory_space<hbm>> -> memref<96xi32, #tpu.memory_space<hbm>>
    %dma_start3A_27 = tpu.memref_slice %arg3[%mul3A_25] : memref<331776xi32, #tpu.memory_space<hbm>> -> memref<96xi32, #tpu.memory_space<hbm>>
    tpu.enqueue_dma source(%dma_start3A_27 : memref<96xi32, #tpu.memory_space<hbm>>) target(%arg8 : memref<96xi32, #tpu.memory_space<vmem>>) target_semaphore(%arg21 : memref<!tpu.dma_semaphore, #tpu.memory_space<semaphore_mem>>)
    %add3A_28 = arith.constant 1 : i32
    %add3A_29 = arith.addi %mul3A_4, %add3A_28 : i32
    %mul3A_30 = arith.constant 96 : i32
    %mul3A_31 = arith.muli %add3A_29, %mul3A_30 : i32
    %dma_start3A_32 = tpu.memref_slice %arg4[%mul3A_31] : memref<331776xi32, #tpu.memory_space<hbm>> -> memref<96xi32, #tpu.memory_space<hbm>>
    %dma_start3A_33 = tpu.memref_slice %arg4[%mul3A_31] : memref<331776xi32, #tpu.memory_space<hbm>> -> memref<96xi32, #tpu.memory_space<hbm>>
    tpu.enqueue_dma source(%dma_start3A_33 : memref<96xi32, #tpu.memory_space<hbm>>) target(%arg12 : memref<96xi32, #tpu.memory_space<vmem>>) target_semaphore(%arg21 : memref<!tpu.dma_semaphore, #tpu.memory_space<semaphore_mem>>)
    %add3A_34 = arith.constant 2 : i32
    %add3A_35 = arith.addi %mul3A_4, %add3A_34 : i32
    %mul3A_36 = arith.constant 96 : i32
    %mul3A_37 = arith.muli %add3A_35, %mul3A_36 : i32
    %dma_start3A_38 = tpu.memref_slice %arg3[%mul3A_37] : memref<331776xi32, #tpu.memory_space<hbm>> -> memref<96xi32, #tpu.memory_space<hbm>>
    %dma_start3A_39 = tpu.memref_slice %arg3[%mul3A_37] : memref<331776xi32, #tpu.memory_space<hbm>> -> memref<96xi32, #tpu.memory_space<hbm>>
    tpu.enqueue_dma source(%dma_start3A_39 : memref<96xi32, #tpu.memory_space<hbm>>) target(%arg9 : memref<96xi32, #tpu.memory_space<vmem>>) target_semaphore(%arg22 : memref<!tpu.dma_semaphore, #tpu.memory_space<semaphore_mem>>)
    %add3A_40 = arith.constant 2 : i32
    %add3A_41 = arith.addi %mul3A_4, %add3A_40 : i32
    %mul3A_42 = arith.constant 96 : i32
    %mul3A_43 = arith.muli %add3A_41, %mul3A_42 : i32
    %dma_start3A_44 = tpu.memref_slice %arg4[%mul3A_43] : memref<331776xi32, #tpu.memory_space<hbm>> -> memref<96xi32, #tpu.memory_space<hbm>>
    %dma_start3A_45 = tpu.memref_slice %arg4[%mul3A_43] : memref<331776xi32, #tpu.memory_space<hbm>> -> memref<96xi32, #tpu.memory_space<hbm>>
    tpu.enqueue_dma source(%dma_start3A_45 : memref<96xi32, #tpu.memory_space<hbm>>) target(%arg13 : memref<96xi32, #tpu.memory_space<vmem>>) target_semaphore(%arg22 : memref<!tpu.dma_semaphore, #tpu.memory_space<semaphore_mem>>)
    %add3A_46 = arith.constant 3 : i32
    %add3A_47 = arith.addi %mul3A_4, %add3A_46 : i32
    %mul3A_48 = arith.constant 96 : i32
    %mul3A_49 = arith.muli %add3A_47, %mul3A_48 : i32
    %dma_start3A_50 = tpu.memref_slice %arg3[%mul3A_49] : memref<331776xi32, #tpu.memory_space<hbm>> -> memref<96xi32, #tpu.memory_space<hbm>>
    %dma_start3A_51 = tpu.memref_slice %arg3[%mul3A_49] : memref<331776xi32, #tpu.memory_space<hbm>> -> memref<96xi32, #tpu.memory_space<hbm>>
    tpu.enqueue_dma source(%dma_start3A_51 : memref<96xi32, #tpu.memory_space<hbm>>) target(%arg10 : memref<96xi32, #tpu.memory_space<vmem>>) target_semaphore(%arg23 : memref<!tpu.dma_semaphore, #tpu.memory_space<semaphore_mem>>)
    %add3A_52 = arith.constant 3 : i32
    %add3A_53 = arith.addi %mul3A_4, %add3A_52 : i32
    %mul3A_54 = arith.constant 96 : i32
    %mul3A_55 = arith.muli %add3A_53, %mul3A_54 : i32
    %dma_start3A_56 = tpu.memref_slice %arg4[%mul3A_55] : memref<331776xi32, #tpu.memory_space<hbm>> -> memref<96xi32, #tpu.memory_space<hbm>>
    %dma_start3A_57 = tpu.memref_slice %arg4[%mul3A_55] : memref<331776xi32, #tpu.memory_space<hbm>> -> memref<96xi32, #tpu.memory_space<hbm>>
    tpu.enqueue_dma source(%dma_start3A_57 : memref<96xi32, #tpu.memory_space<hbm>>) target(%arg14 : memref<96xi32, #tpu.memory_space<vmem>>) target_semaphore(%arg23 : memref<!tpu.dma_semaphore, #tpu.memory_space<semaphore_mem>>)
    %add3A_58 = arith.constant 0 : i32
    %add3A_59 = arith.addi %mul3A_4, %add3A_58 : i32
    %mul3A_60 = arith.constant 96 : i32
    %mul3A_61 = arith.muli %add3A_59, %mul3A_60 : i32
    %dma_wait3A = tpu.memref_slice %arg3[%mul3A_61] : memref<331776xi32, #tpu.memory_space<hbm>> -> memref<96xi32, #tpu.memory_space<hbm>>
    %dma_wait3A_62 = tpu.memref_slice %arg3[%mul3A_61] : memref<331776xi32, #tpu.memory_space<hbm>> -> memref<96xi32, #tpu.memory_space<hbm>>
    tpu.wait_dma2 semaphore(%arg20 : memref<!tpu.dma_semaphore, #tpu.memory_space<semaphore_mem>>) src(%dma_wait3A_62 : memref<96xi32, #tpu.memory_space<hbm>>) dst(%arg7 : memref<96xi32, #tpu.memory_space<vmem>>)
    %add3A_63 = arith.constant 0 : i32
    %add3A_64 = arith.addi %mul3A_4, %add3A_63 : i32
    %mul3A_65 = arith.constant 96 : i32
    %mul3A_66 = arith.muli %add3A_64, %mul3A_65 : i32
    %dma_wait3A_67 = tpu.memref_slice %arg4[%mul3A_66] : memref<331776xi32, #tpu.memory_space<hbm>> -> memref<96xi32, #tpu.memory_space<hbm>>
    %dma_wait3A_68 = tpu.memref_slice %arg4[%mul3A_66] : memref<331776xi32, #tpu.memory_space<hbm>> -> memref<96xi32, #tpu.memory_space<hbm>>
    tpu.wait_dma2 semaphore(%arg20 : memref<!tpu.dma_semaphore, #tpu.memory_space<semaphore_mem>>) src(%dma_wait3A_68 : memref<96xi32, #tpu.memory_space<hbm>>) dst(%arg11 : memref<96xi32, #tpu.memory_space<vmem>>)
    %dma_start3A_69 = arith.constant 0 : i32
    %dma_start3A_70 = arith.constant 0 : i32
    %dma_start3A_71 = tpu.memref_slice %arg2[%dma_start3A_69, %dma_start3A_70] : memref<10000x128xf32, #tpu.memory_space<hbm>> -> memref<10000x128xf32, #tpu.memory_space<hbm>>
    tpu.enqueue_indirect_dma source(%dma_start3A_71 : memref<10000x128xf32, #tpu.memory_space<hbm>>) target(%arg15 : memref<96x128xf32, #tpu.memory_space<vmem>>) offsets(%arg7 : memref<96xi32, #tpu.memory_space<vmem>>) semaphore(%arg24 : memref<!tpu.dma_semaphore, #tpu.memory_space<semaphore_mem>>)
    %add3A_72 = arith.constant 1 : i32
    %add3A_73 = arith.addi %mul3A_4, %add3A_72 : i32
    %mul3A_74 = arith.constant 96 : i32
    %mul3A_75 = arith.muli %add3A_73, %mul3A_74 : i32
    %dma_wait3A_76 = tpu.memref_slice %arg3[%mul3A_75] : memref<331776xi32, #tpu.memory_space<hbm>> -> memref<96xi32, #tpu.memory_space<hbm>>
    %dma_wait3A_77 = tpu.memref_slice %arg3[%mul3A_75] : memref<331776xi32, #tpu.memory_space<hbm>> -> memref<96xi32, #tpu.memory_space<hbm>>
    tpu.wait_dma2 semaphore(%arg21 : memref<!tpu.dma_semaphore, #tpu.memory_space<semaphore_mem>>) src(%dma_wait3A_77 : memref<96xi32, #tpu.memory_space<hbm>>) dst(%arg8 : memref<96xi32, #tpu.memory_space<vmem>>)
    %add3A_78 = arith.constant 1 : i32
    %add3A_79 = arith.addi %mul3A_4, %add3A_78 : i32
    %mul3A_80 = arith.constant 96 : i32
    %mul3A_81 = arith.muli %add3A_79, %mul3A_80 : i32
    %dma_wait3A_82 = tpu.memref_slice %arg4[%mul3A_81] : memref<331776xi32, #tpu.memory_space<hbm>> -> memref<96xi32, #tpu.memory_space<hbm>>
    %dma_wait3A_83 = tpu.memref_slice %arg4[%mul3A_81] : memref<331776xi32, #tpu.memory_space<hbm>> -> memref<96xi32, #tpu.memory_space<hbm>>
    tpu.wait_dma2 semaphore(%arg21 : memref<!tpu.dma_semaphore, #tpu.memory_space<semaphore_mem>>) src(%dma_wait3A_83 : memref<96xi32, #tpu.memory_space<hbm>>) dst(%arg12 : memref<96xi32, #tpu.memory_space<vmem>>)
    %dma_start3A_84 = arith.constant 0 : i32
    %dma_start3A_85 = arith.constant 0 : i32
    %dma_start3A_86 = tpu.memref_slice %arg2[%dma_start3A_84, %dma_start3A_85] : memref<10000x128xf32, #tpu.memory_space<hbm>> -> memref<10000x128xf32, #tpu.memory_space<hbm>>
    tpu.enqueue_indirect_dma source(%dma_start3A_86 : memref<10000x128xf32, #tpu.memory_space<hbm>>) target(%arg16 : memref<96x128xf32, #tpu.memory_space<vmem>>) offsets(%arg8 : memref<96xi32, #tpu.memory_space<vmem>>) semaphore(%arg25 : memref<!tpu.dma_semaphore, #tpu.memory_space<semaphore_mem>>)
    %add3A_87 = arith.constant 2 : i32
    %add3A_88 = arith.addi %mul3A_4, %add3A_87 : i32
    %mul3A_89 = arith.constant 96 : i32
    %mul3A_90 = arith.muli %add3A_88, %mul3A_89 : i32
    %dma_wait3A_91 = tpu.memref_slice %arg3[%mul3A_90] : memref<331776xi32, #tpu.memory_space<hbm>> -> memref<96xi32, #tpu.memory_space<hbm>>
    %dma_wait3A_92 = tpu.memref_slice %arg3[%mul3A_90] : memref<331776xi32, #tpu.memory_space<hbm>> -> memref<96xi32, #tpu.memory_space<hbm>>
    tpu.wait_dma2 semaphore(%arg22 : memref<!tpu.dma_semaphore, #tpu.memory_space<semaphore_mem>>) src(%dma_wait3A_92 : memref<96xi32, #tpu.memory_space<hbm>>) dst(%arg9 : memref<96xi32, #tpu.memory_space<vmem>>)
    %add3A_93 = arith.constant 2 : i32
    %add3A_94 = arith.addi %mul3A_4, %add3A_93 : i32
    %mul3A_95 = arith.constant 96 : i32
    %mul3A_96 = arith.muli %add3A_94, %mul3A_95 : i32
    %dma_wait3A_97 = tpu.memref_slice %arg4[%mul3A_96] : memref<331776xi32, #tpu.memory_space<hbm>> -> memref<96xi32, #tpu.memory_space<hbm>>
    %dma_wait3A_98 = tpu.memref_slice %arg4[%mul3A_96] : memref<331776xi32, #tpu.memory_space<hbm>> -> memref<96xi32, #tpu.memory_space<hbm>>
    tpu.wait_dma2 semaphore(%arg22 : memref<!tpu.dma_semaphore, #tpu.memory_space<semaphore_mem>>) src(%dma_wait3A_98 : memref<96xi32, #tpu.memory_space<hbm>>) dst(%arg13 : memref<96xi32, #tpu.memory_space<vmem>>)
    %dma_start3A_99 = arith.constant 0 : i32
    %dma_start3A_100 = arith.constant 0 : i32
    %dma_start3A_101 = tpu.memref_slice %arg2[%dma_start3A_99, %dma_start3A_100] : memref<10000x128xf32, #tpu.memory_space<hbm>> -> memref<10000x128xf32, #tpu.memory_space<hbm>>
    tpu.enqueue_indirect_dma source(%dma_start3A_101 : memref<10000x128xf32, #tpu.memory_space<hbm>>) target(%arg17 : memref<96x128xf32, #tpu.memory_space<vmem>>) offsets(%arg9 : memref<96xi32, #tpu.memory_space<vmem>>) semaphore(%arg26 : memref<!tpu.dma_semaphore, #tpu.memory_space<semaphore_mem>>)
    %barrier3A = arith.constant 0 : index
    tpu.barrier barrier_id(%barrier3A)
    %scan3A = arith.constant 0 : i32
    %scan3A_102 = arith.constant 0 : i32
    %scan3A_103 = arith.constant 26 : i32
    %scan3A_104 = arith.addi %scan3A_102, %scan3A_103 : i32
    %scan3A_105 = arith.constant 1 : i32
    scf.for %scan3A_140 = %scan3A_102 to %scan3A_104 step %scan3A_105  : i32 {
      %mul3A_141 = arith.constant 4 : i32
      %mul3A_142 = arith.muli %scan3A_140, %mul3A_141 : i32
      %add3A_143 = arith.constant 0 : i32
      %add3A_144 = arith.addi %mul3A_142, %add3A_143 : i32
      %dma_wait3A_145 = arith.constant 0 : i32
      %dma_wait3A_146 = arith.constant 0 : i32
      %dma_wait3A_147 = tpu.memref_slice %arg2[%dma_wait3A_145, %dma_wait3A_146] : memref<10000x128xf32, #tpu.memory_space<hbm>> -> memref<10000x128xf32, #tpu.memory_space<hbm>>
      tpu.wait_indirect_dma semaphore(%arg24 : memref<!tpu.dma_semaphore, #tpu.memory_space<semaphore_mem>>) src(%dma_wait3A_147 : memref<10000x128xf32, #tpu.memory_space<hbm>>) dst(%arg15 : memref<96x128xf32, #tpu.memory_space<vmem>>)
      "tpu.region"() ({
        %run_scoped3A = tpu.sem_alloc : memref<!tpu.dma_semaphore, #tpu.memory_space<semaphore_mem>>
        %dma_start3A_278 = arith.constant 0 : i32
        %dma_start3A_279 = arith.constant 0 : i32
        %dma_start3A_280 = tpu.memref_slice %arg19[%dma_start3A_278, %dma_start3A_279] : memref<10096x128xf32, #tpu.memory_space<vmem_shared>> -> memref<10096x128xf32, #tpu.memory_space<vmem_shared>>
        tpu.enqueue_indirect_dma source(%arg15 : memref<96x128xf32, #tpu.memory_space<vmem>>) target(%dma_start3A_280 : memref<10096x128xf32, #tpu.memory_space<vmem_shared>>) offsets(%arg11 : memref<96xi32, #tpu.memory_space<vmem>>) semaphore(%run_scoped3A : memref<!tpu.dma_semaphore, #tpu.memory_space<semaphore_mem>>) {add = true}
        %dma_wait3A_281 = arith.constant 0 : i32
        %dma_wait3A_282 = arith.constant 0 : i32
        %dma_wait3A_283 = tpu.memref_slice %arg19[%dma_wait3A_281, %dma_wait3A_282] : memref<10096x128xf32, #tpu.memory_space<vmem_shared>> -> memref<10096x128xf32, #tpu.memory_space<vmem_shared>>
        tpu.wait_indirect_dma semaphore(%run_scoped3A : memref<!tpu.dma_semaphore, #tpu.memory_space<semaphore_mem>>) src(%arg15 : memref<96x128xf32, #tpu.memory_space<vmem>>) dst(%dma_wait3A_283 : memref<10096x128xf32, #tpu.memory_space<vmem_shared>>)
        tpu.yield
      }) : () -> ()
      %add3A_148 = arith.constant 4 : i32
      %add3A_149 = arith.addi %add3A_144, %add3A_148 : i32
      %sub3A = arith.constant 1 : i32
      %sub3A_150 = arith.subi %add3A_149, %sub3A : i32
      %add3A_151 = arith.addi %mul3A_4, %sub3A_150 : i32
      %mul3A_152 = arith.constant 96 : i32
      %mul3A_153 = arith.muli %add3A_151, %mul3A_152 : i32
      %dma_wait3A_154 = tpu.memref_slice %arg3[%mul3A_153] : memref<331776xi32, #tpu.memory_space<hbm>> -> memref<96xi32, #tpu.memory_space<hbm>>
      %dma_wait3A_155 = tpu.memref_slice %arg3[%mul3A_153] : memref<331776xi32, #tpu.memory_space<hbm>> -> memref<96xi32, #tpu.memory_space<hbm>>
      tpu.wait_dma2 semaphore(%arg23 : memref<!tpu.dma_semaphore, #tpu.memory_space<semaphore_mem>>) src(%dma_wait3A_155 : memref<96xi32, #tpu.memory_space<hbm>>) dst(%arg10 : memref<96xi32, #tpu.memory_space<vmem>>)
      %add3A_156 = arith.addi %mul3A_4, %sub3A_150 : i32
      %mul3A_157 = arith.constant 96 : i32
      %mul3A_158 = arith.muli %add3A_156, %mul3A_157 : i32
      %dma_wait3A_159 = tpu.memref_slice %arg4[%mul3A_158] : memref<331776xi32, #tpu.memory_space<hbm>> -> memref<96xi32, #tpu.memory_space<hbm>>
      %dma_wait3A_160 = tpu.memref_slice %arg4[%mul3A_158] : memref<331776xi32, #tpu.memory_space<hbm>> -> memref<96xi32, #tpu.memory_space<hbm>>
      tpu.wait_dma2 semaphore(%arg23 : memref<!tpu.dma_semaphore, #tpu.memory_space<semaphore_mem>>) src(%dma_wait3A_160 : memref<96xi32, #tpu.memory_space<hbm>>) dst(%arg14 : memref<96xi32, #tpu.memory_space<vmem>>)
      %dma_start3A_161 = arith.constant 0 : i32
      %dma_start3A_162 = arith.constant 0 : i32
      %dma_start3A_163 = tpu.memref_slice %arg2[%dma_start3A_161, %dma_start3A_162] : memref<10000x128xf32, #tpu.memory_space<hbm>> -> memref<10000x128xf32, #tpu.memory_space<hbm>>
      tpu.enqueue_indirect_dma source(%dma_start3A_163 : memref<10000x128xf32, #tpu.memory_space<hbm>>) target(%arg18 : memref<96x128xf32, #tpu.memory_space<vmem>>) offsets(%arg10 : memref<96xi32, #tpu.memory_space<vmem>>) semaphore(%arg27 : memref<!tpu.dma_semaphore, #tpu.memory_space<semaphore_mem>>)
      %add3A_164 = arith.constant 4 : i32
      %add3A_165 = arith.addi %add3A_144, %add3A_164 : i32
      %add3A_166 = arith.addi %mul3A_4, %add3A_165 : i32
      %mul3A_167 = arith.constant 96 : i32
      %mul3A_168 = arith.muli %add3A_166, %mul3A_167 : i32
      %dma_start3A_169 = tpu.memref_slice %arg3[%mul3A_168] : memref<331776xi32, #tpu.memory_space<hbm>> -> memref<96xi32, #tpu.memory_space<hbm>>
      %dma_start3A_170 = tpu.memref_slice %arg3[%mul3A_168] : memref<331776xi32, #tpu.memory_space<hbm>> -> memref<96xi32, #tpu.memory_space<hbm>>
      tpu.enqueue_dma source(%dma_start3A_170 : memref<96xi32, #tpu.memory_space<hbm>>) target(%arg7 : memref<96xi32, #tpu.memory_space<vmem>>) target_semaphore(%arg20 : memref<!tpu.dma_semaphore, #tpu.memory_space<semaphore_mem>>)
      %add3A_171 = arith.addi %mul3A_4, %add3A_165 : i32
      %mul3A_172 = arith.constant 96 : i32
      %mul3A_173 = arith.muli %add3A_171, %mul3A_172 : i32
      %dma_start3A_174 = tpu.memref_slice %arg4[%mul3A_173] : memref<331776xi32, #tpu.memory_space<hbm>> -> memref<96xi32, #tpu.memory_space<hbm>>
      %dma_start3A_175 = tpu.memref_slice %arg4[%mul3A_173] : memref<331776xi32, #tpu.memory_space<hbm>> -> memref<96xi32, #tpu.memory_space<hbm>>
      tpu.enqueue_dma source(%dma_start3A_175 : memref<96xi32, #tpu.memory_space<hbm>>) target(%arg11 : memref<96xi32, #tpu.memory_space<vmem>>) target_semaphore(%arg20 : memref<!tpu.dma_semaphore, #tpu.memory_space<semaphore_mem>>)
      %add3A_176 = arith.constant 1 : i32
      %add3A_177 = arith.addi %mul3A_142, %add3A_176 : i32
      %dma_wait3A_178 = arith.constant 0 : i32
      %dma_wait3A_179 = arith.constant 0 : i32
      %dma_wait3A_180 = tpu.memref_slice %arg2[%dma_wait3A_178, %dma_wait3A_179] : memref<10000x128xf32, #tpu.memory_space<hbm>> -> memref<10000x128xf32, #tpu.memory_space<hbm>>
      tpu.wait_indirect_dma semaphore(%arg25 : memref<!tpu.dma_semaphore, #tpu.memory_space<semaphore_mem>>) src(%dma_wait3A_180 : memref<10000x128xf32, #tpu.memory_space<hbm>>) dst(%arg16 : memref<96x128xf32, #tpu.memory_space<vmem>>)
      "tpu.region"() ({
        %run_scoped3A = tpu.sem_alloc : memref<!tpu.dma_semaphore, #tpu.memory_space<semaphore_mem>>
        %dma_start3A_278 = arith.constant 0 : i32
        %dma_start3A_279 = arith.constant 0 : i32
        %dma_start3A_280 = tpu.memref_slice %arg19[%dma_start3A_278, %dma_start3A_279] : memref<10096x128xf32, #tpu.memory_space<vmem_shared>> -> memref<10096x128xf32, #tpu.memory_space<vmem_shared>>
        tpu.enqueue_indirect_dma source(%arg16 : memref<96x128xf32, #tpu.memory_space<vmem>>) target(%dma_start3A_280 : memref<10096x128xf32, #tpu.memory_space<vmem_shared>>) offsets(%arg12 : memref<96xi32, #tpu.memory_space<vmem>>) semaphore(%run_scoped3A : memref<!tpu.dma_semaphore, #tpu.memory_space<semaphore_mem>>) {add = true}
        %dma_wait3A_281 = arith.constant 0 : i32
        %dma_wait3A_282 = arith.constant 0 : i32
        %dma_wait3A_283 = tpu.memref_slice %arg19[%dma_wait3A_281, %dma_wait3A_282] : memref<10096x128xf32, #tpu.memory_space<vmem_shared>> -> memref<10096x128xf32, #tpu.memory_space<vmem_shared>>
        tpu.wait_indirect_dma semaphore(%run_scoped3A : memref<!tpu.dma_semaphore, #tpu.memory_space<semaphore_mem>>) src(%arg16 : memref<96x128xf32, #tpu.memory_space<vmem>>) dst(%dma_wait3A_283 : memref<10096x128xf32, #tpu.memory_space<vmem_shared>>)
        tpu.yield
      }) : () -> ()
      %add3A_181 = arith.constant 4 : i32
      %add3A_182 = arith.addi %add3A_177, %add3A_181 : i32
      %sub3A_183 = arith.constant 1 : i32
      %sub3A_184 = arith.subi %add3A_182, %sub3A_183 : i32
      %add3A_185 = arith.addi %mul3A_4, %sub3A_184 : i32
      %mul3A_186 = arith.constant 96 : i32
      %mul3A_187 = arith.muli %add3A_185, %mul3A_186 : i32
      %dma_wait3A_188 = tpu.memref_slice %arg3[%mul3A_187] : memref<331776xi32, #tpu.memory_space<hbm>> -> memref<96xi32, #tpu.memory_space<hbm>>
      %dma_wait3A_189 = tpu.memref_slice %arg3[%mul3A_187] : memref<331776xi32, #tpu.memory_space<hbm>> -> memref<96xi32, #tpu.memory_space<hbm>>
      tpu.wait_dma2 semaphore(%arg20 : memref<!tpu.dma_semaphore, #tpu.memory_space<semaphore_mem>>) src(%dma_wait3A_189 : memref<96xi32, #tpu.memory_space<hbm>>) dst(%arg7 : memref<96xi32, #tpu.memory_space<vmem>>)
      %add3A_190 = arith.addi %mul3A_4, %sub3A_184 : i32
      %mul3A_191 = arith.constant 96 : i32
      %mul3A_192 = arith.muli %add3A_190, %mul3A_191 : i32
      %dma_wait3A_193 = tpu.memref_slice %arg4[%mul3A_192] : memref<331776xi32, #tpu.memory_space<hbm>> -> memref<96xi32, #tpu.memory_space<hbm>>
      %dma_wait3A_194 = tpu.memref_slice %arg4[%mul3A_192] : memref<331776xi32, #tpu.memory_space<hbm>> -> memref<96xi32, #tpu.memory_space<hbm>>
      tpu.wait_dma2 semaphore(%arg20 : memref<!tpu.dma_semaphore, #tpu.memory_space<semaphore_mem>>) src(%dma_wait3A_194 : memref<96xi32, #tpu.memory_space<hbm>>) dst(%arg11 : memref<96xi32, #tpu.memory_space<vmem>>)
      %dma_start3A_195 = arith.constant 0 : i32
      %dma_start3A_196 = arith.constant 0 : i32
      %dma_start3A_197 = tpu.memref_slice %arg2[%dma_start3A_195, %dma_start3A_196] : memref<10000x128xf32, #tpu.memory_space<hbm>> -> memref<10000x128xf32, #tpu.memory_space<hbm>>
      tpu.enqueue_indirect_dma source(%dma_start3A_197 : memref<10000x128xf32, #tpu.memory_space<hbm>>) target(%arg15 : memref<96x128xf32, #tpu.memory_space<vmem>>) offsets(%arg7 : memref<96xi32, #tpu.memory_space<vmem>>) semaphore(%arg24 : memref<!tpu.dma_semaphore, #tpu.memory_space<semaphore_mem>>)
      %add3A_198 = arith.constant 4 : i32
      %add3A_199 = arith.addi %add3A_177, %add3A_198 : i32
      %add3A_200 = arith.addi %mul3A_4, %add3A_199 : i32
      %mul3A_201 = arith.constant 96 : i32
      %mul3A_202 = arith.muli %add3A_200, %mul3A_201 : i32
      %dma_start3A_203 = tpu.memref_slice %arg3[%mul3A_202] : memref<331776xi32, #tpu.memory_space<hbm>> -> memref<96xi32, #tpu.memory_space<hbm>>
      %dma_start3A_204 = tpu.memref_slice %arg3[%mul3A_202] : memref<331776xi32, #tpu.memory_space<hbm>> -> memref<96xi32, #tpu.memory_space<hbm>>
      tpu.enqueue_dma source(%dma_start3A_204 : memref<96xi32, #tpu.memory_space<hbm>>) target(%arg8 : memref<96xi32, #tpu.memory_space<vmem>>) target_semaphore(%arg21 : memref<!tpu.dma_semaphore, #tpu.memory_space<semaphore_mem>>)
      %add3A_205 = arith.addi %mul3A_4, %add3A_199 : i32
      %mul3A_206 = arith.constant 96 : i32
      %mul3A_207 = arith.muli %add3A_205, %mul3A_206 : i32
      %dma_start3A_208 = tpu.memref_slice %arg4[%mul3A_207] : memref<331776xi32, #tpu.memory_space<hbm>> -> memref<96xi32, #tpu.memory_space<hbm>>
      %dma_start3A_209 = tpu.memref_slice %arg4[%mul3A_207] : memref<331776xi32, #tpu.memory_space<hbm>> -> memref<96xi32, #tpu.memory_space<hbm>>
      tpu.enqueue_dma source(%dma_start3A_209 : memref<96xi32, #tpu.memory_space<hbm>>) target(%arg12 : memref<96xi32, #tpu.memory_space<vmem>>) target_semaphore(%arg21 : memref<!tpu.dma_semaphore, #tpu.memory_space<semaphore_mem>>)
      %add3A_210 = arith.constant 2 : i32
      %add3A_211 = arith.addi %mul3A_142, %add3A_210 : i32
      %dma_wait3A_212 = arith.constant 0 : i32
      %dma_wait3A_213 = arith.constant 0 : i32
      %dma_wait3A_214 = tpu.memref_slice %arg2[%dma_wait3A_212, %dma_wait3A_213] : memref<10000x128xf32, #tpu.memory_space<hbm>> -> memref<10000x128xf32, #tpu.memory_space<hbm>>
      tpu.wait_indirect_dma semaphore(%arg26 : memref<!tpu.dma_semaphore, #tpu.memory_space<semaphore_mem>>) src(%dma_wait3A_214 : memref<10000x128xf32, #tpu.memory_space<hbm>>) dst(%arg17 : memref<96x128xf32, #tpu.memory_space<vmem>>)
      "tpu.region"() ({
        %run_scoped3A = tpu.sem_alloc : memref<!tpu.dma_semaphore, #tpu.memory_space<semaphore_mem>>
        %dma_start3A_278 = arith.constant 0 : i32
        %dma_start3A_279 = arith.constant 0 : i32
        %dma_start3A_280 = tpu.memref_slice %arg19[%dma_start3A_278, %dma_start3A_279] : memref<10096x128xf32, #tpu.memory_space<vmem_shared>> -> memref<10096x128xf32, #tpu.memory_space<vmem_shared>>
        tpu.enqueue_indirect_dma source(%arg17 : memref<96x128xf32, #tpu.memory_space<vmem>>) target(%dma_start3A_280 : memref<10096x128xf32, #tpu.memory_space<vmem_shared>>) offsets(%arg13 : memref<96xi32, #tpu.memory_space<vmem>>) semaphore(%run_scoped3A : memref<!tpu.dma_semaphore, #tpu.memory_space<semaphore_mem>>) {add = true}
        %dma_wait3A_281 = arith.constant 0 : i32
        %dma_wait3A_282 = arith.constant 0 : i32
        %dma_wait3A_283 = tpu.memref_slice %arg19[%dma_wait3A_281, %dma_wait3A_282] : memref<10096x128xf32, #tpu.memory_space<vmem_shared>> -> memref<10096x128xf32, #tpu.memory_space<vmem_shared>>
        tpu.wait_indirect_dma semaphore(%run_scoped3A : memref<!tpu.dma_semaphore, #tpu.memory_space<semaphore_mem>>) src(%arg17 : memref<96x128xf32, #tpu.memory_space<vmem>>) dst(%dma_wait3A_283 : memref<10096x128xf32, #tpu.memory_space<vmem_shared>>)
        tpu.yield
      }) : () -> ()
      %add3A_215 = arith.constant 4 : i32
      %add3A_216 = arith.addi %add3A_211, %add3A_215 : i32
      %sub3A_217 = arith.constant 1 : i32
      %sub3A_218 = arith.subi %add3A_216, %sub3A_217 : i32
      %add3A_219 = arith.addi %mul3A_4, %sub3A_218 : i32
      %mul3A_220 = arith.constant 96 : i32
      %mul3A_221 = arith.muli %add3A_219, %mul3A_220 : i32
      %dma_wait3A_222 = tpu.memref_slice %arg3[%mul3A_221] : memref<331776xi32, #tpu.memory_space<hbm>> -> memref<96xi32, #tpu.memory_space<hbm>>
      %dma_wait3A_223 = tpu.memref_slice %arg3[%mul3A_221] : memref<331776xi32, #tpu.memory_space<hbm>> -> memref<96xi32, #tpu.memory_space<hbm>>
      tpu.wait_dma2 semaphore(%arg21 : memref<!tpu.dma_semaphore, #tpu.memory_space<semaphore_mem>>) src(%dma_wait3A_223 : memref<96xi32, #tpu.memory_space<hbm>>) dst(%arg8 : memref<96xi32, #tpu.memory_space<vmem>>)
      %add3A_224 = arith.addi %mul3A_4, %sub3A_218 : i32
      %mul3A_225 = arith.constant 96 : i32
      %mul3A_226 = arith.muli %add3A_224, %mul3A_225 : i32
      %dma_wait3A_227 = tpu.memref_slice %arg4[%mul3A_226] : memref<331776xi32, #tpu.memory_space<hbm>> -> memref<96xi32, #tpu.memory_space<hbm>>
      %dma_wait3A_228 = tpu.memref_slice %arg4[%mul3A_226] : memref<331776xi32, #tpu.memory_space<hbm>> -> memref<96xi32, #tpu.memory_space<hbm>>
      tpu.wait_dma2 semaphore(%arg21 : memref<!tpu.dma_semaphore, #tpu.memory_space<semaphore_mem>>) src(%dma_wait3A_228 : memref<96xi32, #tpu.memory_space<hbm>>) dst(%arg12 : memref<96xi32, #tpu.memory_space<vmem>>)
      %dma_start3A_229 = arith.constant 0 : i32
      %dma_start3A_230 = arith.constant 0 : i32
      %dma_start3A_231 = tpu.memref_slice %arg2[%dma_start3A_229, %dma_start3A_230] : memref<10000x128xf32, #tpu.memory_space<hbm>> -> memref<10000x128xf32, #tpu.memory_space<hbm>>
      tpu.enqueue_indirect_dma source(%dma_start3A_231 : memref<10000x128xf32, #tpu.memory_space<hbm>>) target(%arg16 : memref<96x128xf32, #tpu.memory_space<vmem>>) offsets(%arg8 : memref<96xi32, #tpu.memory_space<vmem>>) semaphore(%arg25 : memref<!tpu.dma_semaphore, #tpu.memory_space<semaphore_mem>>)
      %add3A_232 = arith.constant 4 : i32
      %add3A_233 = arith.addi %add3A_211, %add3A_232 : i32
      %add3A_234 = arith.addi %mul3A_4, %add3A_233 : i32
      %mul3A_235 = arith.constant 96 : i32
      %mul3A_236 = arith.muli %add3A_234, %mul3A_235 : i32
      %dma_start3A_237 = tpu.memref_slice %arg3[%mul3A_236] : memref<331776xi32, #tpu.memory_space<hbm>> -> memref<96xi32, #tpu.memory_space<hbm>>
      %dma_start3A_238 = tpu.memref_slice %arg3[%mul3A_236] : memref<331776xi32, #tpu.memory_space<hbm>> -> memref<96xi32, #tpu.memory_space<hbm>>
      tpu.enqueue_dma source(%dma_start3A_238 : memref<96xi32, #tpu.memory_space<hbm>>) target(%arg9 : memref<96xi32, #tpu.memory_space<vmem>>) target_semaphore(%arg22 : memref<!tpu.dma_semaphore, #tpu.memory_space<semaphore_mem>>)
      %add3A_239 = arith.addi %mul3A_4, %add3A_233 : i32
      %mul3A_240 = arith.constant 96 : i32
      %mul3A_241 = arith.muli %add3A_239, %mul3A_240 : i32
      %dma_start3A_242 = tpu.memref_slice %arg4[%mul3A_241] : memref<331776xi32, #tpu.memory_space<hbm>> -> memref<96xi32, #tpu.memory_space<hbm>>
      %dma_start3A_243 = tpu.memref_slice %arg4[%mul3A_241] : memref<331776xi32, #tpu.memory_space<hbm>> -> memref<96xi32, #tpu.memory_space<hbm>>
      tpu.enqueue_dma source(%dma_start3A_243 : memref<96xi32, #tpu.memory_space<hbm>>) target(%arg13 : memref<96xi32, #tpu.memory_space<vmem>>) target_semaphore(%arg22 : memref<!tpu.dma_semaphore, #tpu.memory_space<semaphore_mem>>)
      %add3A_244 = arith.constant 3 : i32
      %add3A_245 = arith.addi %mul3A_142, %add3A_244 : i32
      %dma_wait3A_246 = arith.constant 0 : i32
      %dma_wait3A_247 = arith.constant 0 : i32
      %dma_wait3A_248 = tpu.memref_slice %arg2[%dma_wait3A_246, %dma_wait3A_247] : memref<10000x128xf32, #tpu.memory_space<hbm>> -> memref<10000x128xf32, #tpu.memory_space<hbm>>
      tpu.wait_indirect_dma semaphore(%arg27 : memref<!tpu.dma_semaphore, #tpu.memory_space<semaphore_mem>>) src(%dma_wait3A_248 : memref<10000x128xf32, #tpu.memory_space<hbm>>) dst(%arg18 : memref<96x128xf32, #tpu.memory_space<vmem>>)
      "tpu.region"() ({
        %run_scoped3A = tpu.sem_alloc : memref<!tpu.dma_semaphore, #tpu.memory_space<semaphore_mem>>
        %dma_start3A_278 = arith.constant 0 : i32
        %dma_start3A_279 = arith.constant 0 : i32
        %dma_start3A_280 = tpu.memref_slice %arg19[%dma_start3A_278, %dma_start3A_279] : memref<10096x128xf32, #tpu.memory_space<vmem_shared>> -> memref<10096x128xf32, #tpu.memory_space<vmem_shared>>
        tpu.enqueue_indirect_dma source(%arg18 : memref<96x128xf32, #tpu.memory_space<vmem>>) target(%dma_start3A_280 : memref<10096x128xf32, #tpu.memory_space<vmem_shared>>) offsets(%arg14 : memref<96xi32, #tpu.memory_space<vmem>>) semaphore(%run_scoped3A : memref<!tpu.dma_semaphore, #tpu.memory_space<semaphore_mem>>) {add = true}
        %dma_wait3A_281 = arith.constant 0 : i32
        %dma_wait3A_282 = arith.constant 0 : i32
        %dma_wait3A_283 = tpu.memref_slice %arg19[%dma_wait3A_281, %dma_wait3A_282] : memref<10096x128xf32, #tpu.memory_space<vmem_shared>> -> memref<10096x128xf32, #tpu.memory_space<vmem_shared>>
        tpu.wait_indirect_dma semaphore(%run_scoped3A : memref<!tpu.dma_semaphore, #tpu.memory_space<semaphore_mem>>) src(%arg18 : memref<96x128xf32, #tpu.memory_space<vmem>>) dst(%dma_wait3A_283 : memref<10096x128xf32, #tpu.memory_space<vmem_shared>>)
        tpu.yield
      }) : () -> ()
      %add3A_249 = arith.constant 4 : i32
      %add3A_250 = arith.addi %add3A_245, %add3A_249 : i32
      %sub3A_251 = arith.constant 1 : i32
      %sub3A_252 = arith.subi %add3A_250, %sub3A_251 : i32
      %add3A_253 = arith.addi %mul3A_4, %sub3A_252 : i32
      %mul3A_254 = arith.constant 96 : i32
      %mul3A_255 = arith.muli %add3A_253, %mul3A_254 : i32
      %dma_wait3A_256 = tpu.memref_slice %arg3[%mul3A_255] : memref<331776xi32, #tpu.memory_space<hbm>> -> memref<96xi32, #tpu.memory_space<hbm>>
      %dma_wait3A_257 = tpu.memref_slice %arg3[%mul3A_255] : memref<331776xi32, #tpu.memory_space<hbm>> -> memref<96xi32, #tpu.memory_space<hbm>>
      tpu.wait_dma2 semaphore(%arg22 : memref<!tpu.dma_semaphore, #tpu.memory_space<semaphore_mem>>) src(%dma_wait3A_257 : memref<96xi32, #tpu.memory_space<hbm>>) dst(%arg9 : memref<96xi32, #tpu.memory_space<vmem>>)
      %add3A_258 = arith.addi %mul3A_4, %sub3A_252 : i32
      %mul3A_259 = arith.constant 96 : i32
      %mul3A_260 = arith.muli %add3A_258, %mul3A_259 : i32
      %dma_wait3A_261 = tpu.memref_slice %arg4[%mul3A_260] : memref<331776xi32, #tpu.memory_space<hbm>> -> memref<96xi32, #tpu.memory_space<hbm>>
      %dma_wait3A_262 = tpu.memref_slice %arg4[%mul3A_260] : memref<331776xi32, #tpu.memory_space<hbm>> -> memref<96xi32, #tpu.memory_space<hbm>>
      tpu.wait_dma2 semaphore(%arg22 : memref<!tpu.dma_semaphore, #tpu.memory_space<semaphore_mem>>) src(%dma_wait3A_262 : memref<96xi32, #tpu.memory_space<hbm>>) dst(%arg13 : memref<96xi32, #tpu.memory_space<vmem>>)
      %dma_start3A_263 = arith.constant 0 : i32
      %dma_start3A_264 = arith.constant 0 : i32
      %dma_start3A_265 = tpu.memref_slice %arg2[%dma_start3A_263, %dma_start3A_264] : memref<10000x128xf32, #tpu.memory_space<hbm>> -> memref<10000x128xf32, #tpu.memory_space<hbm>>
      tpu.enqueue_indirect_dma source(%dma_start3A_265 : memref<10000x128xf32, #tpu.memory_space<hbm>>) target(%arg17 : memref<96x128xf32, #tpu.memory_space<vmem>>) offsets(%arg9 : memref<96xi32, #tpu.memory_space<vmem>>) semaphore(%arg26 : memref<!tpu.dma_semaphore, #tpu.memory_space<semaphore_mem>>)
      %add3A_266 = arith.constant 4 : i32
      %add3A_267 = arith.addi %add3A_245, %add3A_266 : i32
      %add3A_268 = arith.addi %mul3A_4, %add3A_267 : i32
      %mul3A_269 = arith.constant 96 : i32
      %mul3A_270 = arith.muli %add3A_268, %mul3A_269 : i32
      %dma_start3A_271 = tpu.memref_slice %arg3[%mul3A_270] : memref<331776xi32, #tpu.memory_space<hbm>> -> memref<96xi32, #tpu.memory_space<hbm>>
      %dma_start3A_272 = tpu.memref_slice %arg3[%mul3A_270] : memref<331776xi32, #tpu.memory_space<hbm>> -> memref<96xi32, #tpu.memory_space<hbm>>
      tpu.enqueue_dma source(%dma_start3A_272 : memref<96xi32, #tpu.memory_space<hbm>>) target(%arg10 : memref<96xi32, #tpu.memory_space<vmem>>) target_semaphore(%arg23 : memref<!tpu.dma_semaphore, #tpu.memory_space<semaphore_mem>>)
      %add3A_273 = arith.addi %mul3A_4, %add3A_267 : i32
      %mul3A_274 = arith.constant 96 : i32
      %mul3A_275 = arith.muli %add3A_273, %mul3A_274 : i32
      %dma_start3A_276 = tpu.memref_slice %arg4[%mul3A_275] : memref<331776xi32, #tpu.memory_space<hbm>> -> memref<96xi32, #tpu.memory_space<hbm>>
      %dma_start3A_277 = tpu.memref_slice %arg4[%mul3A_275] : memref<331776xi32, #tpu.memory_space<hbm>> -> memref<96xi32, #tpu.memory_space<hbm>>
      tpu.enqueue_dma source(%dma_start3A_277 : memref<96xi32, #tpu.memory_space<hbm>>) target(%arg14 : memref<96xi32, #tpu.memory_space<vmem>>) target_semaphore(%arg23 : memref<!tpu.dma_semaphore, #tpu.memory_space<semaphore_mem>>)
    }
    %scan3A_106 = arith.constant 26 : i32
    %dma_wait3A_107 = arith.constant 0 : i32
    %dma_wait3A_108 = arith.constant 0 : i32
    %dma_wait3A_109 = tpu.memref_slice %arg2[%dma_wait3A_107, %dma_wait3A_108] : memref<10000x128xf32, #tpu.memory_space<hbm>> -> memref<10000x128xf32, #tpu.memory_space<hbm>>
    tpu.wait_indirect_dma semaphore(%arg24 : memref<!tpu.dma_semaphore, #tpu.memory_space<semaphore_mem>>) src(%dma_wait3A_109 : memref<10000x128xf32, #tpu.memory_space<hbm>>) dst(%arg15 : memref<96x128xf32, #tpu.memory_space<vmem>>)
    "tpu.region"() ({
      %run_scoped3A = tpu.sem_alloc : memref<!tpu.dma_semaphore, #tpu.memory_space<semaphore_mem>>
      %dma_start3A_140 = arith.constant 0 : i32
      %dma_start3A_141 = arith.constant 0 : i32
      %dma_start3A_142 = tpu.memref_slice %arg19[%dma_start3A_140, %dma_start3A_141] : memref<10096x128xf32, #tpu.memory_space<vmem_shared>> -> memref<10096x128xf32, #tpu.memory_space<vmem_shared>>
      tpu.enqueue_indirect_dma source(%arg15 : memref<96x128xf32, #tpu.memory_space<vmem>>) target(%dma_start3A_142 : memref<10096x128xf32, #tpu.memory_space<vmem_shared>>) offsets(%arg11 : memref<96xi32, #tpu.memory_space<vmem>>) semaphore(%run_scoped3A : memref<!tpu.dma_semaphore, #tpu.memory_space<semaphore_mem>>) {add = true}
      %dma_wait3A_143 = arith.constant 0 : i32
      %dma_wait3A_144 = arith.constant 0 : i32
      %dma_wait3A_145 = tpu.memref_slice %arg19[%dma_wait3A_143, %dma_wait3A_144] : memref<10096x128xf32, #tpu.memory_space<vmem_shared>> -> memref<10096x128xf32, #tpu.memory_space<vmem_shared>>
      tpu.wait_indirect_dma semaphore(%run_scoped3A : memref<!tpu.dma_semaphore, #tpu.memory_space<semaphore_mem>>) src(%arg15 : memref<96x128xf32, #tpu.memory_space<vmem>>) dst(%dma_wait3A_145 : memref<10096x128xf32, #tpu.memory_space<vmem_shared>>)
      tpu.yield
    }) : () -> ()
    %add3A_110 = arith.constant 107 : i32
    %add3A_111 = arith.addi %mul3A_4, %add3A_110 : i32
    %mul3A_112 = arith.constant 96 : i32
    %mul3A_113 = arith.muli %add3A_111, %mul3A_112 : i32
    %dma_wait3A_114 = tpu.memref_slice %arg3[%mul3A_113] : memref<331776xi32, #tpu.memory_space<hbm>> -> memref<96xi32, #tpu.memory_space<hbm>>
    %dma_wait3A_115 = tpu.memref_slice %arg3[%mul3A_113] : memref<331776xi32, #tpu.memory_space<hbm>> -> memref<96xi32, #tpu.memory_space<hbm>>
    tpu.wait_dma2 semaphore(%arg23 : memref<!tpu.dma_semaphore, #tpu.memory_space<semaphore_mem>>) src(%dma_wait3A_115 : memref<96xi32, #tpu.memory_space<hbm>>) dst(%arg10 : memref<96xi32, #tpu.memory_space<vmem>>)
    %add3A_116 = arith.constant 107 : i32
    %add3A_117 = arith.addi %mul3A_4, %add3A_116 : i32
    %mul3A_118 = arith.constant 96 : i32
    %mul3A_119 = arith.muli %add3A_117, %mul3A_118 : i32
    %dma_wait3A_120 = tpu.memref_slice %arg4[%mul3A_119] : memref<331776xi32, #tpu.memory_space<hbm>> -> memref<96xi32, #tpu.memory_space<hbm>>
    %dma_wait3A_121 = tpu.memref_slice %arg4[%mul3A_119] : memref<331776xi32, #tpu.memory_space<hbm>> -> memref<96xi32, #tpu.memory_space<hbm>>
    tpu.wait_dma2 semaphore(%arg23 : memref<!tpu.dma_semaphore, #tpu.memory_space<semaphore_mem>>) src(%dma_wait3A_121 : memref<96xi32, #tpu.memory_space<hbm>>) dst(%arg14 : memref<96xi32, #tpu.memory_space<vmem>>)
    %dma_start3A_122 = arith.constant 0 : i32
    %dma_start3A_123 = arith.constant 0 : i32
    %dma_start3A_124 = tpu.memref_slice %arg2[%dma_start3A_122, %dma_start3A_123] : memref<10000x128xf32, #tpu.memory_space<hbm>> -> memref<10000x128xf32, #tpu.memory_space<hbm>>
    tpu.enqueue_indirect_dma source(%dma_start3A_124 : memref<10000x128xf32, #tpu.memory_space<hbm>>) target(%arg18 : memref<96x128xf32, #tpu.memory_space<vmem>>) offsets(%arg10 : memref<96xi32, #tpu.memory_space<vmem>>) semaphore(%arg27 : memref<!tpu.dma_semaphore, #tpu.memory_space<semaphore_mem>>)
    %dma_wait3A_125 = arith.constant 0 : i32
    %dma_wait3A_126 = arith.constant 0 : i32
    %dma_wait3A_127 = tpu.memref_slice %arg2[%dma_wait3A_125, %dma_wait3A_126] : memref<10000x128xf32, #tpu.memory_space<hbm>> -> memref<10000x128xf32, #tpu.memory_space<hbm>>
    tpu.wait_indirect_dma semaphore(%arg25 : memref<!tpu.dma_semaphore, #tpu.memory_space<semaphore_mem>>) src(%dma_wait3A_127 : memref<10000x128xf32, #tpu.memory_space<hbm>>) dst(%arg16 : memref<96x128xf32, #tpu.memory_space<vmem>>)
    "tpu.region"() ({
      %run_scoped3A = tpu.sem_alloc : memref<!tpu.dma_semaphore, #tpu.memory_space<semaphore_mem>>
      %dma_start3A_140 = arith.constant 0 : i32
      %dma_start3A_141 = arith.constant 0 : i32
      %dma_start3A_142 = tpu.memref_slice %arg19[%dma_start3A_140, %dma_start3A_141] : memref<10096x128xf32, #tpu.memory_space<vmem_shared>> -> memref<10096x128xf32, #tpu.memory_space<vmem_shared>>
      tpu.enqueue_indirect_dma source(%arg16 : memref<96x128xf32, #tpu.memory_space<vmem>>) target(%dma_start3A_142 : memref<10096x128xf32, #tpu.memory_space<vmem_shared>>) offsets(%arg12 : memref<96xi32, #tpu.memory_space<vmem>>) semaphore(%run_scoped3A : memref<!tpu.dma_semaphore, #tpu.memory_space<semaphore_mem>>) {add = true}
      %dma_wait3A_143 = arith.constant 0 : i32
      %dma_wait3A_144 = arith.constant 0 : i32
      %dma_wait3A_145 = tpu.memref_slice %arg19[%dma_wait3A_143, %dma_wait3A_144] : memref<10096x128xf32, #tpu.memory_space<vmem_shared>> -> memref<10096x128xf32, #tpu.memory_space<vmem_shared>>
      tpu.wait_indirect_dma semaphore(%run_scoped3A : memref<!tpu.dma_semaphore, #tpu.memory_space<semaphore_mem>>) src(%arg16 : memref<96x128xf32, #tpu.memory_space<vmem>>) dst(%dma_wait3A_145 : memref<10096x128xf32, #tpu.memory_space<vmem_shared>>)
      tpu.yield
    }) : () -> ()
    %dma_wait3A_128 = arith.constant 0 : i32
    %dma_wait3A_129 = arith.constant 0 : i32
    %dma_wait3A_130 = tpu.memref_slice %arg2[%dma_wait3A_128, %dma_wait3A_129] : memref<10000x128xf32, #tpu.memory_space<hbm>> -> memref<10000x128xf32, #tpu.memory_space<hbm>>
    tpu.wait_indirect_dma semaphore(%arg26 : memref<!tpu.dma_semaphore, #tpu.memory_space<semaphore_mem>>) src(%dma_wait3A_130 : memref<10000x128xf32, #tpu.memory_space<hbm>>) dst(%arg17 : memref<96x128xf32, #tpu.memory_space<vmem>>)
    "tpu.region"() ({
      %run_scoped3A = tpu.sem_alloc : memref<!tpu.dma_semaphore, #tpu.memory_space<semaphore_mem>>
      %dma_start3A_140 = arith.constant 0 : i32
      %dma_start3A_141 = arith.constant 0 : i32
      %dma_start3A_142 = tpu.memref_slice %arg19[%dma_start3A_140, %dma_start3A_141] : memref<10096x128xf32, #tpu.memory_space<vmem_shared>> -> memref<10096x128xf32, #tpu.memory_space<vmem_shared>>
      tpu.enqueue_indirect_dma source(%arg17 : memref<96x128xf32, #tpu.memory_space<vmem>>) target(%dma_start3A_142 : memref<10096x128xf32, #tpu.memory_space<vmem_shared>>) offsets(%arg13 : memref<96xi32, #tpu.memory_space<vmem>>) semaphore(%run_scoped3A : memref<!tpu.dma_semaphore, #tpu.memory_space<semaphore_mem>>) {add = true}
      %dma_wait3A_143 = arith.constant 0 : i32
      %dma_wait3A_144 = arith.constant 0 : i32
      %dma_wait3A_145 = tpu.memref_slice %arg19[%dma_wait3A_143, %dma_wait3A_144] : memref<10096x128xf32, #tpu.memory_space<vmem_shared>> -> memref<10096x128xf32, #tpu.memory_space<vmem_shared>>
      tpu.wait_indirect_dma semaphore(%run_scoped3A : memref<!tpu.dma_semaphore, #tpu.memory_space<semaphore_mem>>) src(%arg17 : memref<96x128xf32, #tpu.memory_space<vmem>>) dst(%dma_wait3A_145 : memref<10096x128xf32, #tpu.memory_space<vmem_shared>>)
      tpu.yield
    }) : () -> ()
    %dma_wait3A_131 = arith.constant 0 : i32
    %dma_wait3A_132 = arith.constant 0 : i32
    %dma_wait3A_133 = tpu.memref_slice %arg2[%dma_wait3A_131, %dma_wait3A_132] : memref<10000x128xf32, #tpu.memory_space<hbm>> -> memref<10000x128xf32, #tpu.memory_space<hbm>>
    tpu.wait_indirect_dma semaphore(%arg27 : memref<!tpu.dma_semaphore, #tpu.memory_space<semaphore_mem>>) src(%dma_wait3A_133 : memref<10000x128xf32, #tpu.memory_space<hbm>>) dst(%arg18 : memref<96x128xf32, #tpu.memory_space<vmem>>)
    "tpu.region"() ({
      %run_scoped3A = tpu.sem_alloc : memref<!tpu.dma_semaphore, #tpu.memory_space<semaphore_mem>>
      %dma_start3A_140 = arith.constant 0 : i32
      %dma_start3A_141 = arith.constant 0 : i32
      %dma_start3A_142 = tpu.memref_slice %arg19[%dma_start3A_140, %dma_start3A_141] : memref<10096x128xf32, #tpu.memory_space<vmem_shared>> -> memref<10096x128xf32, #tpu.memory_space<vmem_shared>>
      tpu.enqueue_indirect_dma source(%arg18 : memref<96x128xf32, #tpu.memory_space<vmem>>) target(%dma_start3A_142 : memref<10096x128xf32, #tpu.memory_space<vmem_shared>>) offsets(%arg14 : memref<96xi32, #tpu.memory_space<vmem>>) semaphore(%run_scoped3A : memref<!tpu.dma_semaphore, #tpu.memory_space<semaphore_mem>>) {add = true}
      %dma_wait3A_143 = arith.constant 0 : i32
      %dma_wait3A_144 = arith.constant 0 : i32
      %dma_wait3A_145 = tpu.memref_slice %arg19[%dma_wait3A_143, %dma_wait3A_144] : memref<10096x128xf32, #tpu.memory_space<vmem_shared>> -> memref<10096x128xf32, #tpu.memory_space<vmem_shared>>
      tpu.wait_indirect_dma semaphore(%run_scoped3A : memref<!tpu.dma_semaphore, #tpu.memory_space<semaphore_mem>>) src(%arg18 : memref<96x128xf32, #tpu.memory_space<vmem>>) dst(%dma_wait3A_145 : memref<10096x128xf32, #tpu.memory_space<vmem_shared>>)
      tpu.yield
    }) : () -> ()
    %barrier3A_134 = arith.constant 0 : index
    tpu.barrier barrier_id(%barrier3A_134)
    "tpu.region"() ({
      %run_scoped3A = tpu.sem_alloc : memref<!tpu.dma_semaphore, #tpu.memory_space<semaphore_mem>>
      %dma_start3A_140 = arith.constant 0 : i32
      %dma_start3A_141 = tpu.memref_slice %arg6[%arg0, %mul3A_0, %dma_start3A_140] : memref<2x10000x128xf32, #tpu.memory_space<hbm>> -> memref<1x624x128xf32, #tpu.memory_space<hbm>>
      %dma_start3A_142 = tpu.memref_squeeze %dma_start3A_141 : memref<1x624x128xf32, #tpu.memory_space<hbm>> -> memref<624x128xf32, #tpu.memory_space<hbm>>
      %dma_start3A_143 = arith.constant 0 : i32
      %dma_start3A_144 = tpu.memref_slice %arg19[%mul3A_0, %dma_start3A_143] : memref<10096x128xf32, #tpu.memory_space<vmem_shared>> -> memref<624x128xf32, #tpu.memory_space<vmem_shared>>
      tpu.enqueue_dma source(%dma_start3A_144 : memref<624x128xf32, #tpu.memory_space<vmem_shared>>) target(%dma_start3A_142 : memref<624x128xf32, #tpu.memory_space<hbm>>) target_semaphore(%run_scoped3A : memref<!tpu.dma_semaphore, #tpu.memory_space<semaphore_mem>>)
      %dma_wait3A_145 = arith.constant 0 : i32
      %dma_wait3A_146 = tpu.memref_slice %arg6[%arg0, %mul3A_0, %dma_wait3A_145] : memref<2x10000x128xf32, #tpu.memory_space<hbm>> -> memref<1x624x128xf32, #tpu.memory_space<hbm>>
      %dma_wait3A_147 = tpu.memref_squeeze %dma_wait3A_146 : memref<1x624x128xf32, #tpu.memory_space<hbm>> -> memref<624x128xf32, #tpu.memory_space<hbm>>
      %dma_wait3A_148 = arith.constant 0 : i32
      %dma_wait3A_149 = tpu.memref_slice %arg19[%mul3A_0, %dma_wait3A_148] : memref<10096x128xf32, #tpu.memory_space<vmem_shared>> -> memref<624x128xf32, #tpu.memory_space<vmem_shared>>
      tpu.wait_dma2 semaphore(%run_scoped3A : memref<!tpu.dma_semaphore, #tpu.memory_space<semaphore_mem>>) src(%dma_wait3A_149 : memref<624x128xf32, #tpu.memory_space<vmem_shared>>) dst(%dma_wait3A_147 : memref<624x128xf32, #tpu.memory_space<hbm>>)
      tpu.yield
    }) : () -> ()
    %eq3A_135 = arith.constant 15 : i32
    %eq3A_136 = arith.cmpi eq, %arg1, %eq3A_135 : i32
    %convert_element_type3A_137 = arith.extui %eq3A_136 : i1 to i32
    %cond3A_138 = arith.constant 0 : i32
    %cond3A_139 = arith.cmpi ne, %convert_element_type3A_137, %cond3A_138 : i32
    scf.if %cond3A_139 {
      "tpu.region"() ({
        %run_scoped3A = tpu.sem_alloc : memref<!tpu.dma_semaphore, #tpu.memory_space<semaphore_mem>>
        %dma_start3A_140 = arith.constant 9984 : i32
        %dma_start3A_141 = arith.constant 0 : i32
        %dma_start3A_142 = tpu.memref_slice %arg6[%arg0, %dma_start3A_140, %dma_start3A_141] : memref<2x10000x128xf32, #tpu.memory_space<hbm>> -> memref<1x16x128xf32, #tpu.memory_space<hbm>>
        %dma_start3A_143 = tpu.memref_squeeze %dma_start3A_142 : memref<1x16x128xf32, #tpu.memory_space<hbm>> -> memref<16x128xf32, #tpu.memory_space<hbm>>
        %dma_start3A_144 = arith.constant 9984 : i32
        %dma_start3A_145 = arith.constant 0 : i32
        %dma_start3A_146 = tpu.memref_slice %arg19[%dma_start3A_144, %dma_start3A_145] : memref<10096x128xf32, #tpu.memory_space<vmem_shared>> -> memref<16x128xf32, #tpu.memory_space<vmem_shared>>
        tpu.enqueue_dma source(%dma_start3A_146 : memref<16x128xf32, #tpu.memory_space<vmem_shared>>) target(%dma_start3A_143 : memref<16x128xf32, #tpu.memory_space<hbm>>) target_semaphore(%run_scoped3A : memref<!tpu.dma_semaphore, #tpu.memory_space<semaphore_mem>>)
        %dma_wait3A_147 = arith.constant 9984 : i32
        %dma_wait3A_148 = arith.constant 0 : i32
        %dma_wait3A_149 = tpu.memref_slice %arg6[%arg0, %dma_wait3A_147, %dma_wait3A_148] : memref<2x10000x128xf32, #tpu.memory_space<hbm>> -> memref<1x16x128xf32, #tpu.memory_space<hbm>>
        %dma_wait3A_150 = tpu.memref_squeeze %dma_wait3A_149 : memref<1x16x128xf32, #tpu.memory_space<hbm>> -> memref<16x128xf32, #tpu.memory_space<hbm>>
        %dma_wait3A_151 = arith.constant 9984 : i32
        %dma_wait3A_152 = arith.constant 0 : i32
        %dma_wait3A_153 = tpu.memref_slice %arg19[%dma_wait3A_151, %dma_wait3A_152] : memref<10096x128xf32, #tpu.memory_space<vmem_shared>> -> memref<16x128xf32, #tpu.memory_space<vmem_shared>>
        tpu.wait_dma2 semaphore(%run_scoped3A : memref<!tpu.dma_semaphore, #tpu.memory_space<semaphore_mem>>) src(%dma_wait3A_153 : memref<16x128xf32, #tpu.memory_space<vmem_shared>>) dst(%dma_wait3A_150 : memref<16x128xf32, #tpu.memory_space<hbm>>)
        tpu.yield
      }) : () -> ()
    } else {
    }
    return
  }
}

#map = affine_map<(d0, d1) -> (0, 0)>
#map1 = affine_map<(d0, d1) -> (0)>
#map2 = affine_map<(d0, d1) -> (0, 0, 0)>
module attributes {stable_mosaic.version = 14 : i64} {
  func.func @_sc_agg_body(%arg0: i32, %arg1: i32, %arg2: memref<10000x128xf32, #tpu.memory_space<hbm>>, %arg3: memref<331776xi32, #tpu.memory_space<hbm>>, %arg4: memref<331776xi32, #tpu.memory_space<hbm>>, %arg5: memref<10000x128xf32, #tpu.memory_space<hbm>>, %arg6: memref<2x10000x128xf32, #tpu.memory_space<hbm>>, %arg7: memref<96xi32, #tpu.memory_space<vmem>>, %arg8: memref<96xi32, #tpu.memory_space<vmem>>, %arg9: memref<96xi32, #tpu.memory_space<vmem>>, %arg10: memref<96xi32, #tpu.memory_space<vmem>>, %arg11: memref<96xi32, #tpu.memory_space<vmem>>, %arg12: memref<96xi32, #tpu.memory_space<vmem>>, %arg13: memref<96xi32, #tpu.memory_space<vmem>>, %arg14: memref<96xi32, #tpu.memory_space<vmem>>, %arg15: memref<96x128xf32, #tpu.memory_space<vmem>>, %arg16: memref<96x128xf32, #tpu.memory_space<vmem>>, %arg17: memref<96x128xf32, #tpu.memory_space<vmem>>, %arg18: memref<96x128xf32, #tpu.memory_space<vmem>>, %arg19: memref<10096x128xf32, #tpu.memory_space<vmem_shared>>, %arg20: memref<!tpu.dma_semaphore, #tpu.memory_space<semaphore_mem>>, %arg21: memref<!tpu.dma_semaphore, #tpu.memory_space<semaphore_mem>>, %arg22: memref<!tpu.dma_semaphore, #tpu.memory_space<semaphore_mem>>, %arg23: memref<!tpu.dma_semaphore, #tpu.memory_space<semaphore_mem>>, %arg24: memref<!tpu.dma_semaphore, #tpu.memory_space<semaphore_mem>>, %arg25: memref<!tpu.dma_semaphore, #tpu.memory_space<semaphore_mem>>, %arg26: memref<!tpu.dma_semaphore, #tpu.memory_space<semaphore_mem>>, %arg27: memref<!tpu.dma_semaphore, #tpu.memory_space<semaphore_mem>>) attributes {dimension_semantics = [#tpu.dimension_semantics<core_parallel>, #tpu.dimension_semantics<subcore_parallel>], iteration_bounds = array<i64: 2, 16>, scalar_prefetch = 0 : i64, scratch_operands = 21 : i64, tpu.core_type = #tpu.core_type<sc_vector_subcore>, window_params = [{transform_indices = #map}, {transform_indices = #map1}, {transform_indices = #map1}, {transform_indices = #map}, {transform_indices = #map2}]} {
    %mul3A = arith.constant 624 : i32
    %mul3A_0 = arith.muli %arg1, %mul3A : i32
    %mul3A_1 = arith.constant 16 : i32
    %mul3A_2 = arith.muli %arg0, %mul3A_1 : i32
    %add3A = arith.addi %mul3A_2, %arg1 : i32
    %mul3A_3 = arith.constant 108 : i32
    %mul3A_4 = arith.muli %add3A, %mul3A_3 : i32
    %eq3A = arith.constant 0 : i32
    %eq3A_5 = arith.cmpi eq, %arg0, %eq3A : i32
    %convert_element_type3A = arith.extui %eq3A_5 : i1 to i32
    %cond3A = arith.constant 0 : i32
    %cond3A_6 = arith.cmpi ne, %convert_element_type3A, %cond3A : i32
    scf.if %cond3A_6 {
      "tpu.region"() ({
        %run_scoped3A = tpu.sem_alloc : memref<!tpu.dma_semaphore, #tpu.memory_space<semaphore_mem>>
        %dma_start3A_145 = arith.constant 0 : i32
        %dma_start3A_146 = tpu.memref_slice %arg19[%mul3A_0, %dma_start3A_145] : memref<10096x128xf32, #tpu.memory_space<vmem_shared>> -> memref<624x128xf32, #tpu.memory_space<vmem_shared>>
        %dma_start3A_147 = arith.constant 0 : i32
        %dma_start3A_148 = tpu.memref_slice %arg2[%mul3A_0, %dma_start3A_147] : memref<10000x128xf32, #tpu.memory_space<hbm>> -> memref<624x128xf32, #tpu.memory_space<hbm>>
        tpu.enqueue_dma source(%dma_start3A_148 : memref<624x128xf32, #tpu.memory_space<hbm>>) target(%dma_start3A_146 : memref<624x128xf32, #tpu.memory_space<vmem_shared>>) target_semaphore(%run_scoped3A : memref<!tpu.dma_semaphore, #tpu.memory_space<semaphore_mem>>)
        %dma_wait3A_149 = arith.constant 0 : i32
        %dma_wait3A_150 = tpu.memref_slice %arg19[%mul3A_0, %dma_wait3A_149] : memref<10096x128xf32, #tpu.memory_space<vmem_shared>> -> memref<624x128xf32, #tpu.memory_space<vmem_shared>>
        %dma_wait3A_151 = arith.constant 0 : i32
        %dma_wait3A_152 = tpu.memref_slice %arg2[%mul3A_0, %dma_wait3A_151] : memref<10000x128xf32, #tpu.memory_space<hbm>> -> memref<624x128xf32, #tpu.memory_space<hbm>>
        tpu.wait_dma2 semaphore(%run_scoped3A : memref<!tpu.dma_semaphore, #tpu.memory_space<semaphore_mem>>) src(%dma_wait3A_152 : memref<624x128xf32, #tpu.memory_space<hbm>>) dst(%dma_wait3A_150 : memref<624x128xf32, #tpu.memory_space<vmem_shared>>)
        tpu.yield
      }) : () -> ()
      %eq3A_140 = arith.constant 15 : i32
      %eq3A_141 = arith.cmpi eq, %arg1, %eq3A_140 : i32
      %convert_element_type3A_142 = arith.extui %eq3A_141 : i1 to i32
      %cond3A_143 = arith.constant 0 : i32
      %cond3A_144 = arith.cmpi ne, %convert_element_type3A_142, %cond3A_143 : i32
      scf.if %cond3A_144 {
        "tpu.region"() ({
          %run_scoped3A = tpu.sem_alloc : memref<!tpu.dma_semaphore, #tpu.memory_space<semaphore_mem>>
          %dma_start3A_145 = arith.constant 9984 : i32
          %dma_start3A_146 = arith.constant 0 : i32
          %dma_start3A_147 = tpu.memref_slice %arg19[%dma_start3A_145, %dma_start3A_146] : memref<10096x128xf32, #tpu.memory_space<vmem_shared>> -> memref<16x128xf32, #tpu.memory_space<vmem_shared>>
          %dma_start3A_148 = arith.constant 9984 : i32
          %dma_start3A_149 = arith.constant 0 : i32
          %dma_start3A_150 = tpu.memref_slice %arg2[%dma_start3A_148, %dma_start3A_149] : memref<10000x128xf32, #tpu.memory_space<hbm>> -> memref<16x128xf32, #tpu.memory_space<hbm>>
          tpu.enqueue_dma source(%dma_start3A_150 : memref<16x128xf32, #tpu.memory_space<hbm>>) target(%dma_start3A_147 : memref<16x128xf32, #tpu.memory_space<vmem_shared>>) target_semaphore(%run_scoped3A : memref<!tpu.dma_semaphore, #tpu.memory_space<semaphore_mem>>)
          %dma_wait3A_151 = arith.constant 9984 : i32
          %dma_wait3A_152 = arith.constant 0 : i32
          %dma_wait3A_153 = tpu.memref_slice %arg19[%dma_wait3A_151, %dma_wait3A_152] : memref<10096x128xf32, #tpu.memory_space<vmem_shared>> -> memref<16x128xf32, #tpu.memory_space<vmem_shared>>
          %dma_wait3A_154 = arith.constant 9984 : i32
          %dma_wait3A_155 = arith.constant 0 : i32
          %dma_wait3A_156 = tpu.memref_slice %arg2[%dma_wait3A_154, %dma_wait3A_155] : memref<10000x128xf32, #tpu.memory_space<hbm>> -> memref<16x128xf32, #tpu.memory_space<hbm>>
          tpu.wait_dma2 semaphore(%run_scoped3A : memref<!tpu.dma_semaphore, #tpu.memory_space<semaphore_mem>>) src(%dma_wait3A_156 : memref<16x128xf32, #tpu.memory_space<hbm>>) dst(%dma_wait3A_153 : memref<16x128xf32, #tpu.memory_space<vmem_shared>>)
          tpu.yield
        }) : () -> ()
      } else {
      }
    } else {
    }
    %ne3A = arith.constant 0 : i32
    %ne3A_7 = arith.cmpi ne, %arg0, %ne3A : i32
    %convert_element_type3A_8 = arith.extui %ne3A_7 : i1 to i32
    %cond3A_9 = arith.constant 0 : i32
    %cond3A_10 = arith.cmpi ne, %convert_element_type3A_8, %cond3A_9 : i32
    scf.if %cond3A_10 {
      "tpu.region"() ({
        %run_scoped3A = tpu.sem_alloc : memref<!tpu.dma_semaphore, #tpu.memory_space<semaphore_mem>>
        %dma_start3A_145 = arith.constant 0 : i32
        %dma_start3A_146 = tpu.memref_slice %arg19[%mul3A_0, %dma_start3A_145] : memref<10096x128xf32, #tpu.memory_space<vmem_shared>> -> memref<624x128xf32, #tpu.memory_space<vmem_shared>>
        %dma_start3A_147 = arith.constant 0 : i32
        %dma_start3A_148 = tpu.memref_slice %arg5[%mul3A_0, %dma_start3A_147] : memref<10000x128xf32, #tpu.memory_space<hbm>> -> memref<624x128xf32, #tpu.memory_space<hbm>>
        tpu.enqueue_dma source(%dma_start3A_148 : memref<624x128xf32, #tpu.memory_space<hbm>>) target(%dma_start3A_146 : memref<624x128xf32, #tpu.memory_space<vmem_shared>>) target_semaphore(%run_scoped3A : memref<!tpu.dma_semaphore, #tpu.memory_space<semaphore_mem>>)
        %dma_wait3A_149 = arith.constant 0 : i32
        %dma_wait3A_150 = tpu.memref_slice %arg19[%mul3A_0, %dma_wait3A_149] : memref<10096x128xf32, #tpu.memory_space<vmem_shared>> -> memref<624x128xf32, #tpu.memory_space<vmem_shared>>
        %dma_wait3A_151 = arith.constant 0 : i32
        %dma_wait3A_152 = tpu.memref_slice %arg5[%mul3A_0, %dma_wait3A_151] : memref<10000x128xf32, #tpu.memory_space<hbm>> -> memref<624x128xf32, #tpu.memory_space<hbm>>
        tpu.wait_dma2 semaphore(%run_scoped3A : memref<!tpu.dma_semaphore, #tpu.memory_space<semaphore_mem>>) src(%dma_wait3A_152 : memref<624x128xf32, #tpu.memory_space<hbm>>) dst(%dma_wait3A_150 : memref<624x128xf32, #tpu.memory_space<vmem_shared>>)
        tpu.yield
      }) : () -> ()
      %eq3A_140 = arith.constant 15 : i32
      %eq3A_141 = arith.cmpi eq, %arg1, %eq3A_140 : i32
      %convert_element_type3A_142 = arith.extui %eq3A_141 : i1 to i32
      %cond3A_143 = arith.constant 0 : i32
      %cond3A_144 = arith.cmpi ne, %convert_element_type3A_142, %cond3A_143 : i32
      scf.if %cond3A_144 {
        "tpu.region"() ({
          %run_scoped3A = tpu.sem_alloc : memref<!tpu.dma_semaphore, #tpu.memory_space<semaphore_mem>>
          %dma_start3A_145 = arith.constant 9984 : i32
          %dma_start3A_146 = arith.constant 0 : i32
          %dma_start3A_147 = tpu.memref_slice %arg19[%dma_start3A_145, %dma_start3A_146] : memref<10096x128xf32, #tpu.memory_space<vmem_shared>> -> memref<16x128xf32, #tpu.memory_space<vmem_shared>>
          %dma_start3A_148 = arith.constant 9984 : i32
          %dma_start3A_149 = arith.constant 0 : i32
          %dma_start3A_150 = tpu.memref_slice %arg5[%dma_start3A_148, %dma_start3A_149] : memref<10000x128xf32, #tpu.memory_space<hbm>> -> memref<16x128xf32, #tpu.memory_space<hbm>>
          tpu.enqueue_dma source(%dma_start3A_150 : memref<16x128xf32, #tpu.memory_space<hbm>>) target(%dma_start3A_147 : memref<16x128xf32, #tpu.memory_space<vmem_shared>>) target_semaphore(%run_scoped3A : memref<!tpu.dma_semaphore, #tpu.memory_space<semaphore_mem>>)
          %dma_wait3A_151 = arith.constant 9984 : i32
          %dma_wait3A_152 = arith.constant 0 : i32
          %dma_wait3A_153 = tpu.memref_slice %arg19[%dma_wait3A_151, %dma_wait3A_152] : memref<10096x128xf32, #tpu.memory_space<vmem_shared>> -> memref<16x128xf32, #tpu.memory_space<vmem_shared>>
          %dma_wait3A_154 = arith.constant 9984 : i32
          %dma_wait3A_155 = arith.constant 0 : i32
          %dma_wait3A_156 = tpu.memref_slice %arg5[%dma_wait3A_154, %dma_wait3A_155] : memref<10000x128xf32, #tpu.memory_space<hbm>> -> memref<16x128xf32, #tpu.memory_space<hbm>>
          tpu.wait_dma2 semaphore(%run_scoped3A : memref<!tpu.dma_semaphore, #tpu.memory_space<semaphore_mem>>) src(%dma_wait3A_156 : memref<16x128xf32, #tpu.memory_space<hbm>>) dst(%dma_wait3A_153 : memref<16x128xf32, #tpu.memory_space<vmem_shared>>)
          tpu.yield
        }) : () -> ()
      } else {
      }
    } else {
    }
    %add3A_11 = arith.constant 0 : i32
    %add3A_12 = arith.addi %mul3A_4, %add3A_11 : i32
    %mul3A_13 = arith.constant 96 : i32
    %mul3A_14 = arith.muli %add3A_12, %mul3A_13 : i32
    %dma_start3A = tpu.memref_slice %arg3[%mul3A_14] : memref<331776xi32, #tpu.memory_space<hbm>> -> memref<96xi32, #tpu.memory_space<hbm>>
    %dma_start3A_15 = tpu.memref_slice %arg3[%mul3A_14] : memref<331776xi32, #tpu.memory_space<hbm>> -> memref<96xi32, #tpu.memory_space<hbm>>
    tpu.enqueue_dma source(%dma_start3A_15 : memref<96xi32, #tpu.memory_space<hbm>>) target(%arg7 : memref<96xi32, #tpu.memory_space<vmem>>) target_semaphore(%arg20 : memref<!tpu.dma_semaphore, #tpu.memory_space<semaphore_mem>>)
    %add3A_16 = arith.constant 0 : i32
    %add3A_17 = arith.addi %mul3A_4, %add3A_16 : i32
    %mul3A_18 = arith.constant 96 : i32
    %mul3A_19 = arith.muli %add3A_17, %mul3A_18 : i32
    %dma_start3A_20 = tpu.memref_slice %arg4[%mul3A_19] : memref<331776xi32, #tpu.memory_space<hbm>> -> memref<96xi32, #tpu.memory_space<hbm>>
    %dma_start3A_21 = tpu.memref_slice %arg4[%mul3A_19] : memref<331776xi32, #tpu.memory_space<hbm>> -> memref<96xi32, #tpu.memory_space<hbm>>
    tpu.enqueue_dma source(%dma_start3A_21 : memref<96xi32, #tpu.memory_space<hbm>>) target(%arg11 : memref<96xi32, #tpu.memory_space<vmem>>) target_semaphore(%arg20 : memref<!tpu.dma_semaphore, #tpu.memory_space<semaphore_mem>>)
    %add3A_22 = arith.constant 1 : i32
    %add3A_23 = arith.addi %mul3A_4, %add3A_22 : i32
    %mul3A_24 = arith.constant 96 : i32
    %mul3A_25 = arith.muli %add3A_23, %mul3A_24 : i32
    %dma_start3A_26 = tpu.memref_slice %arg3[%mul3A_25] : memref<331776xi32, #tpu.memory_space<hbm>> -> memref<96xi32, #tpu.memory_space<hbm>>
    %dma_start3A_27 = tpu.memref_slice %arg3[%mul3A_25] : memref<331776xi32, #tpu.memory_space<hbm>> -> memref<96xi32, #tpu.memory_space<hbm>>
    tpu.enqueue_dma source(%dma_start3A_27 : memref<96xi32, #tpu.memory_space<hbm>>) target(%arg8 : memref<96xi32, #tpu.memory_space<vmem>>) target_semaphore(%arg21 : memref<!tpu.dma_semaphore, #tpu.memory_space<semaphore_mem>>)
    %add3A_28 = arith.constant 1 : i32
    %add3A_29 = arith.addi %mul3A_4, %add3A_28 : i32
    %mul3A_30 = arith.constant 96 : i32
    %mul3A_31 = arith.muli %add3A_29, %mul3A_30 : i32
    %dma_start3A_32 = tpu.memref_slice %arg4[%mul3A_31] : memref<331776xi32, #tpu.memory_space<hbm>> -> memref<96xi32, #tpu.memory_space<hbm>>
    %dma_start3A_33 = tpu.memref_slice %arg4[%mul3A_31] : memref<331776xi32, #tpu.memory_space<hbm>> -> memref<96xi32, #tpu.memory_space<hbm>>
    tpu.enqueue_dma source(%dma_start3A_33 : memref<96xi32, #tpu.memory_space<hbm>>) target(%arg12 : memref<96xi32, #tpu.memory_space<vmem>>) target_semaphore(%arg21 : memref<!tpu.dma_semaphore, #tpu.memory_space<semaphore_mem>>)
    %add3A_34 = arith.constant 2 : i32
    %add3A_35 = arith.addi %mul3A_4, %add3A_34 : i32
    %mul3A_36 = arith.constant 96 : i32
    %mul3A_37 = arith.muli %add3A_35, %mul3A_36 : i32
    %dma_start3A_38 = tpu.memref_slice %arg3[%mul3A_37] : memref<331776xi32, #tpu.memory_space<hbm>> -> memref<96xi32, #tpu.memory_space<hbm>>
    %dma_start3A_39 = tpu.memref_slice %arg3[%mul3A_37] : memref<331776xi32, #tpu.memory_space<hbm>> -> memref<96xi32, #tpu.memory_space<hbm>>
    tpu.enqueue_dma source(%dma_start3A_39 : memref<96xi32, #tpu.memory_space<hbm>>) target(%arg9 : memref<96xi32, #tpu.memory_space<vmem>>) target_semaphore(%arg22 : memref<!tpu.dma_semaphore, #tpu.memory_space<semaphore_mem>>)
    %add3A_40 = arith.constant 2 : i32
    %add3A_41 = arith.addi %mul3A_4, %add3A_40 : i32
    %mul3A_42 = arith.constant 96 : i32
    %mul3A_43 = arith.muli %add3A_41, %mul3A_42 : i32
    %dma_start3A_44 = tpu.memref_slice %arg4[%mul3A_43] : memref<331776xi32, #tpu.memory_space<hbm>> -> memref<96xi32, #tpu.memory_space<hbm>>
    %dma_start3A_45 = tpu.memref_slice %arg4[%mul3A_43] : memref<331776xi32, #tpu.memory_space<hbm>> -> memref<96xi32, #tpu.memory_space<hbm>>
    tpu.enqueue_dma source(%dma_start3A_45 : memref<96xi32, #tpu.memory_space<hbm>>) target(%arg13 : memref<96xi32, #tpu.memory_space<vmem>>) target_semaphore(%arg22 : memref<!tpu.dma_semaphore, #tpu.memory_space<semaphore_mem>>)
    %add3A_46 = arith.constant 3 : i32
    %add3A_47 = arith.addi %mul3A_4, %add3A_46 : i32
    %mul3A_48 = arith.constant 96 : i32
    %mul3A_49 = arith.muli %add3A_47, %mul3A_48 : i32
    %dma_start3A_50 = tpu.memref_slice %arg3[%mul3A_49] : memref<331776xi32, #tpu.memory_space<hbm>> -> memref<96xi32, #tpu.memory_space<hbm>>
    %dma_start3A_51 = tpu.memref_slice %arg3[%mul3A_49] : memref<331776xi32, #tpu.memory_space<hbm>> -> memref<96xi32, #tpu.memory_space<hbm>>
    tpu.enqueue_dma source(%dma_start3A_51 : memref<96xi32, #tpu.memory_space<hbm>>) target(%arg10 : memref<96xi32, #tpu.memory_space<vmem>>) target_semaphore(%arg23 : memref<!tpu.dma_semaphore, #tpu.memory_space<semaphore_mem>>)
    %add3A_52 = arith.constant 3 : i32
    %add3A_53 = arith.addi %mul3A_4, %add3A_52 : i32
    %mul3A_54 = arith.constant 96 : i32
    %mul3A_55 = arith.muli %add3A_53, %mul3A_54 : i32
    %dma_start3A_56 = tpu.memref_slice %arg4[%mul3A_55] : memref<331776xi32, #tpu.memory_space<hbm>> -> memref<96xi32, #tpu.memory_space<hbm>>
    %dma_start3A_57 = tpu.memref_slice %arg4[%mul3A_55] : memref<331776xi32, #tpu.memory_space<hbm>> -> memref<96xi32, #tpu.memory_space<hbm>>
    tpu.enqueue_dma source(%dma_start3A_57 : memref<96xi32, #tpu.memory_space<hbm>>) target(%arg14 : memref<96xi32, #tpu.memory_space<vmem>>) target_semaphore(%arg23 : memref<!tpu.dma_semaphore, #tpu.memory_space<semaphore_mem>>)
    %add3A_58 = arith.constant 0 : i32
    %add3A_59 = arith.addi %mul3A_4, %add3A_58 : i32
    %mul3A_60 = arith.constant 96 : i32
    %mul3A_61 = arith.muli %add3A_59, %mul3A_60 : i32
    %dma_wait3A = tpu.memref_slice %arg3[%mul3A_61] : memref<331776xi32, #tpu.memory_space<hbm>> -> memref<96xi32, #tpu.memory_space<hbm>>
    %dma_wait3A_62 = tpu.memref_slice %arg3[%mul3A_61] : memref<331776xi32, #tpu.memory_space<hbm>> -> memref<96xi32, #tpu.memory_space<hbm>>
    tpu.wait_dma2 semaphore(%arg20 : memref<!tpu.dma_semaphore, #tpu.memory_space<semaphore_mem>>) src(%dma_wait3A_62 : memref<96xi32, #tpu.memory_space<hbm>>) dst(%arg7 : memref<96xi32, #tpu.memory_space<vmem>>)
    %add3A_63 = arith.constant 0 : i32
    %add3A_64 = arith.addi %mul3A_4, %add3A_63 : i32
    %mul3A_65 = arith.constant 96 : i32
    %mul3A_66 = arith.muli %add3A_64, %mul3A_65 : i32
    %dma_wait3A_67 = tpu.memref_slice %arg4[%mul3A_66] : memref<331776xi32, #tpu.memory_space<hbm>> -> memref<96xi32, #tpu.memory_space<hbm>>
    %dma_wait3A_68 = tpu.memref_slice %arg4[%mul3A_66] : memref<331776xi32, #tpu.memory_space<hbm>> -> memref<96xi32, #tpu.memory_space<hbm>>
    tpu.wait_dma2 semaphore(%arg20 : memref<!tpu.dma_semaphore, #tpu.memory_space<semaphore_mem>>) src(%dma_wait3A_68 : memref<96xi32, #tpu.memory_space<hbm>>) dst(%arg11 : memref<96xi32, #tpu.memory_space<vmem>>)
    %dma_start3A_69 = arith.constant 0 : i32
    %dma_start3A_70 = arith.constant 0 : i32
    %dma_start3A_71 = tpu.memref_slice %arg2[%dma_start3A_69, %dma_start3A_70] : memref<10000x128xf32, #tpu.memory_space<hbm>> -> memref<10000x128xf32, #tpu.memory_space<hbm>>
    tpu.enqueue_indirect_dma source(%dma_start3A_71 : memref<10000x128xf32, #tpu.memory_space<hbm>>) target(%arg15 : memref<96x128xf32, #tpu.memory_space<vmem>>) offsets(%arg7 : memref<96xi32, #tpu.memory_space<vmem>>) semaphore(%arg24 : memref<!tpu.dma_semaphore, #tpu.memory_space<semaphore_mem>>)
    %add3A_72 = arith.constant 1 : i32
    %add3A_73 = arith.addi %mul3A_4, %add3A_72 : i32
    %mul3A_74 = arith.constant 96 : i32
    %mul3A_75 = arith.muli %add3A_73, %mul3A_74 : i32
    %dma_wait3A_76 = tpu.memref_slice %arg3[%mul3A_75] : memref<331776xi32, #tpu.memory_space<hbm>> -> memref<96xi32, #tpu.memory_space<hbm>>
    %dma_wait3A_77 = tpu.memref_slice %arg3[%mul3A_75] : memref<331776xi32, #tpu.memory_space<hbm>> -> memref<96xi32, #tpu.memory_space<hbm>>
    tpu.wait_dma2 semaphore(%arg21 : memref<!tpu.dma_semaphore, #tpu.memory_space<semaphore_mem>>) src(%dma_wait3A_77 : memref<96xi32, #tpu.memory_space<hbm>>) dst(%arg8 : memref<96xi32, #tpu.memory_space<vmem>>)
    %add3A_78 = arith.constant 1 : i32
    %add3A_79 = arith.addi %mul3A_4, %add3A_78 : i32
    %mul3A_80 = arith.constant 96 : i32
    %mul3A_81 = arith.muli %add3A_79, %mul3A_80 : i32
    %dma_wait3A_82 = tpu.memref_slice %arg4[%mul3A_81] : memref<331776xi32, #tpu.memory_space<hbm>> -> memref<96xi32, #tpu.memory_space<hbm>>
    %dma_wait3A_83 = tpu.memref_slice %arg4[%mul3A_81] : memref<331776xi32, #tpu.memory_space<hbm>> -> memref<96xi32, #tpu.memory_space<hbm>>
    tpu.wait_dma2 semaphore(%arg21 : memref<!tpu.dma_semaphore, #tpu.memory_space<semaphore_mem>>) src(%dma_wait3A_83 : memref<96xi32, #tpu.memory_space<hbm>>) dst(%arg12 : memref<96xi32, #tpu.memory_space<vmem>>)
    %dma_start3A_84 = arith.constant 0 : i32
    %dma_start3A_85 = arith.constant 0 : i32
    %dma_start3A_86 = tpu.memref_slice %arg2[%dma_start3A_84, %dma_start3A_85] : memref<10000x128xf32, #tpu.memory_space<hbm>> -> memref<10000x128xf32, #tpu.memory_space<hbm>>
    tpu.enqueue_indirect_dma source(%dma_start3A_86 : memref<10000x128xf32, #tpu.memory_space<hbm>>) target(%arg16 : memref<96x128xf32, #tpu.memory_space<vmem>>) offsets(%arg8 : memref<96xi32, #tpu.memory_space<vmem>>) semaphore(%arg25 : memref<!tpu.dma_semaphore, #tpu.memory_space<semaphore_mem>>)
    %add3A_87 = arith.constant 2 : i32
    %add3A_88 = arith.addi %mul3A_4, %add3A_87 : i32
    %mul3A_89 = arith.constant 96 : i32
    %mul3A_90 = arith.muli %add3A_88, %mul3A_89 : i32
    %dma_wait3A_91 = tpu.memref_slice %arg3[%mul3A_90] : memref<331776xi32, #tpu.memory_space<hbm>> -> memref<96xi32, #tpu.memory_space<hbm>>
    %dma_wait3A_92 = tpu.memref_slice %arg3[%mul3A_90] : memref<331776xi32, #tpu.memory_space<hbm>> -> memref<96xi32, #tpu.memory_space<hbm>>
    tpu.wait_dma2 semaphore(%arg22 : memref<!tpu.dma_semaphore, #tpu.memory_space<semaphore_mem>>) src(%dma_wait3A_92 : memref<96xi32, #tpu.memory_space<hbm>>) dst(%arg9 : memref<96xi32, #tpu.memory_space<vmem>>)
    %add3A_93 = arith.constant 2 : i32
    %add3A_94 = arith.addi %mul3A_4, %add3A_93 : i32
    %mul3A_95 = arith.constant 96 : i32
    %mul3A_96 = arith.muli %add3A_94, %mul3A_95 : i32
    %dma_wait3A_97 = tpu.memref_slice %arg4[%mul3A_96] : memref<331776xi32, #tpu.memory_space<hbm>> -> memref<96xi32, #tpu.memory_space<hbm>>
    %dma_wait3A_98 = tpu.memref_slice %arg4[%mul3A_96] : memref<331776xi32, #tpu.memory_space<hbm>> -> memref<96xi32, #tpu.memory_space<hbm>>
    tpu.wait_dma2 semaphore(%arg22 : memref<!tpu.dma_semaphore, #tpu.memory_space<semaphore_mem>>) src(%dma_wait3A_98 : memref<96xi32, #tpu.memory_space<hbm>>) dst(%arg13 : memref<96xi32, #tpu.memory_space<vmem>>)
    %dma_start3A_99 = arith.constant 0 : i32
    %dma_start3A_100 = arith.constant 0 : i32
    %dma_start3A_101 = tpu.memref_slice %arg2[%dma_start3A_99, %dma_start3A_100] : memref<10000x128xf32, #tpu.memory_space<hbm>> -> memref<10000x128xf32, #tpu.memory_space<hbm>>
    tpu.enqueue_indirect_dma source(%dma_start3A_101 : memref<10000x128xf32, #tpu.memory_space<hbm>>) target(%arg17 : memref<96x128xf32, #tpu.memory_space<vmem>>) offsets(%arg9 : memref<96xi32, #tpu.memory_space<vmem>>) semaphore(%arg26 : memref<!tpu.dma_semaphore, #tpu.memory_space<semaphore_mem>>)
    %barrier3A = arith.constant 0 : index
    tpu.barrier barrier_id(%barrier3A)
    %scan3A = arith.constant 0 : i32
    %scan3A_102 = arith.constant 0 : i32
    %scan3A_103 = arith.constant 26 : i32
    %scan3A_104 = arith.addi %scan3A_102, %scan3A_103 : i32
    %scan3A_105 = arith.constant 1 : i32
    scf.for %scan3A_140 = %scan3A_102 to %scan3A_104 step %scan3A_105  : i32 {
      %mul3A_141 = arith.constant 4 : i32
      %mul3A_142 = arith.muli %scan3A_140, %mul3A_141 : i32
      %add3A_143 = arith.constant 0 : i32
      %add3A_144 = arith.addi %mul3A_142, %add3A_143 : i32
      %dma_wait3A_145 = arith.constant 0 : i32
      %dma_wait3A_146 = arith.constant 0 : i32
      %dma_wait3A_147 = tpu.memref_slice %arg2[%dma_wait3A_145, %dma_wait3A_146] : memref<10000x128xf32, #tpu.memory_space<hbm>> -> memref<10000x128xf32, #tpu.memory_space<hbm>>
      tpu.wait_indirect_dma semaphore(%arg24 : memref<!tpu.dma_semaphore, #tpu.memory_space<semaphore_mem>>) src(%dma_wait3A_147 : memref<10000x128xf32, #tpu.memory_space<hbm>>) dst(%arg15 : memref<96x128xf32, #tpu.memory_space<vmem>>)
      "tpu.region"() ({
        %run_scoped3A = tpu.sem_alloc : memref<!tpu.dma_semaphore, #tpu.memory_space<semaphore_mem>>
        %dma_start3A_278 = arith.constant 0 : i32
        %dma_start3A_279 = arith.constant 0 : i32
        %dma_start3A_280 = tpu.memref_slice %arg19[%dma_start3A_278, %dma_start3A_279] : memref<10096x128xf32, #tpu.memory_space<vmem_shared>> -> memref<10096x128xf32, #tpu.memory_space<vmem_shared>>
        tpu.enqueue_indirect_dma source(%arg15 : memref<96x128xf32, #tpu.memory_space<vmem>>) target(%dma_start3A_280 : memref<10096x128xf32, #tpu.memory_space<vmem_shared>>) offsets(%arg11 : memref<96xi32, #tpu.memory_space<vmem>>) semaphore(%run_scoped3A : memref<!tpu.dma_semaphore, #tpu.memory_space<semaphore_mem>>) {add = true}
        %dma_wait3A_281 = arith.constant 0 : i32
        %dma_wait3A_282 = arith.constant 0 : i32
        %dma_wait3A_283 = tpu.memref_slice %arg19[%dma_wait3A_281, %dma_wait3A_282] : memref<10096x128xf32, #tpu.memory_space<vmem_shared>> -> memref<10096x128xf32, #tpu.memory_space<vmem_shared>>
        tpu.wait_indirect_dma semaphore(%run_scoped3A : memref<!tpu.dma_semaphore, #tpu.memory_space<semaphore_mem>>) src(%arg15 : memref<96x128xf32, #tpu.memory_space<vmem>>) dst(%dma_wait3A_283 : memref<10096x128xf32, #tpu.memory_space<vmem_shared>>)
        tpu.yield
      }) : () -> ()
      %add3A_148 = arith.constant 4 : i32
      %add3A_149 = arith.addi %add3A_144, %add3A_148 : i32
      %sub3A = arith.constant 1 : i32
      %sub3A_150 = arith.subi %add3A_149, %sub3A : i32
      %add3A_151 = arith.addi %mul3A_4, %sub3A_150 : i32
      %mul3A_152 = arith.constant 96 : i32
      %mul3A_153 = arith.muli %add3A_151, %mul3A_152 : i32
      %dma_wait3A_154 = tpu.memref_slice %arg3[%mul3A_153] : memref<331776xi32, #tpu.memory_space<hbm>> -> memref<96xi32, #tpu.memory_space<hbm>>
      %dma_wait3A_155 = tpu.memref_slice %arg3[%mul3A_153] : memref<331776xi32, #tpu.memory_space<hbm>> -> memref<96xi32, #tpu.memory_space<hbm>>
      tpu.wait_dma2 semaphore(%arg23 : memref<!tpu.dma_semaphore, #tpu.memory_space<semaphore_mem>>) src(%dma_wait3A_155 : memref<96xi32, #tpu.memory_space<hbm>>) dst(%arg10 : memref<96xi32, #tpu.memory_space<vmem>>)
      %add3A_156 = arith.addi %mul3A_4, %sub3A_150 : i32
      %mul3A_157 = arith.constant 96 : i32
      %mul3A_158 = arith.muli %add3A_156, %mul3A_157 : i32
      %dma_wait3A_159 = tpu.memref_slice %arg4[%mul3A_158] : memref<331776xi32, #tpu.memory_space<hbm>> -> memref<96xi32, #tpu.memory_space<hbm>>
      %dma_wait3A_160 = tpu.memref_slice %arg4[%mul3A_158] : memref<331776xi32, #tpu.memory_space<hbm>> -> memref<96xi32, #tpu.memory_space<hbm>>
      tpu.wait_dma2 semaphore(%arg23 : memref<!tpu.dma_semaphore, #tpu.memory_space<semaphore_mem>>) src(%dma_wait3A_160 : memref<96xi32, #tpu.memory_space<hbm>>) dst(%arg14 : memref<96xi32, #tpu.memory_space<vmem>>)
      %dma_start3A_161 = arith.constant 0 : i32
      %dma_start3A_162 = arith.constant 0 : i32
      %dma_start3A_163 = tpu.memref_slice %arg2[%dma_start3A_161, %dma_start3A_162] : memref<10000x128xf32, #tpu.memory_space<hbm>> -> memref<10000x128xf32, #tpu.memory_space<hbm>>
      tpu.enqueue_indirect_dma source(%dma_start3A_163 : memref<10000x128xf32, #tpu.memory_space<hbm>>) target(%arg18 : memref<96x128xf32, #tpu.memory_space<vmem>>) offsets(%arg10 : memref<96xi32, #tpu.memory_space<vmem>>) semaphore(%arg27 : memref<!tpu.dma_semaphore, #tpu.memory_space<semaphore_mem>>)
      %add3A_164 = arith.constant 4 : i32
      %add3A_165 = arith.addi %add3A_144, %add3A_164 : i32
      %add3A_166 = arith.addi %mul3A_4, %add3A_165 : i32
      %mul3A_167 = arith.constant 96 : i32
      %mul3A_168 = arith.muli %add3A_166, %mul3A_167 : i32
      %dma_start3A_169 = tpu.memref_slice %arg3[%mul3A_168] : memref<331776xi32, #tpu.memory_space<hbm>> -> memref<96xi32, #tpu.memory_space<hbm>>
      %dma_start3A_170 = tpu.memref_slice %arg3[%mul3A_168] : memref<331776xi32, #tpu.memory_space<hbm>> -> memref<96xi32, #tpu.memory_space<hbm>>
      tpu.enqueue_dma source(%dma_start3A_170 : memref<96xi32, #tpu.memory_space<hbm>>) target(%arg7 : memref<96xi32, #tpu.memory_space<vmem>>) target_semaphore(%arg20 : memref<!tpu.dma_semaphore, #tpu.memory_space<semaphore_mem>>)
      %add3A_171 = arith.addi %mul3A_4, %add3A_165 : i32
      %mul3A_172 = arith.constant 96 : i32
      %mul3A_173 = arith.muli %add3A_171, %mul3A_172 : i32
      %dma_start3A_174 = tpu.memref_slice %arg4[%mul3A_173] : memref<331776xi32, #tpu.memory_space<hbm>> -> memref<96xi32, #tpu.memory_space<hbm>>
      %dma_start3A_175 = tpu.memref_slice %arg4[%mul3A_173] : memref<331776xi32, #tpu.memory_space<hbm>> -> memref<96xi32, #tpu.memory_space<hbm>>
      tpu.enqueue_dma source(%dma_start3A_175 : memref<96xi32, #tpu.memory_space<hbm>>) target(%arg11 : memref<96xi32, #tpu.memory_space<vmem>>) target_semaphore(%arg20 : memref<!tpu.dma_semaphore, #tpu.memory_space<semaphore_mem>>)
      %add3A_176 = arith.constant 1 : i32
      %add3A_177 = arith.addi %mul3A_142, %add3A_176 : i32
      %dma_wait3A_178 = arith.constant 0 : i32
      %dma_wait3A_179 = arith.constant 0 : i32
      %dma_wait3A_180 = tpu.memref_slice %arg2[%dma_wait3A_178, %dma_wait3A_179] : memref<10000x128xf32, #tpu.memory_space<hbm>> -> memref<10000x128xf32, #tpu.memory_space<hbm>>
      tpu.wait_indirect_dma semaphore(%arg25 : memref<!tpu.dma_semaphore, #tpu.memory_space<semaphore_mem>>) src(%dma_wait3A_180 : memref<10000x128xf32, #tpu.memory_space<hbm>>) dst(%arg16 : memref<96x128xf32, #tpu.memory_space<vmem>>)
      "tpu.region"() ({
        %run_scoped3A = tpu.sem_alloc : memref<!tpu.dma_semaphore, #tpu.memory_space<semaphore_mem>>
        %dma_start3A_278 = arith.constant 0 : i32
        %dma_start3A_279 = arith.constant 0 : i32
        %dma_start3A_280 = tpu.memref_slice %arg19[%dma_start3A_278, %dma_start3A_279] : memref<10096x128xf32, #tpu.memory_space<vmem_shared>> -> memref<10096x128xf32, #tpu.memory_space<vmem_shared>>
        tpu.enqueue_indirect_dma source(%arg16 : memref<96x128xf32, #tpu.memory_space<vmem>>) target(%dma_start3A_280 : memref<10096x128xf32, #tpu.memory_space<vmem_shared>>) offsets(%arg12 : memref<96xi32, #tpu.memory_space<vmem>>) semaphore(%run_scoped3A : memref<!tpu.dma_semaphore, #tpu.memory_space<semaphore_mem>>) {add = true}
        %dma_wait3A_281 = arith.constant 0 : i32
        %dma_wait3A_282 = arith.constant 0 : i32
        %dma_wait3A_283 = tpu.memref_slice %arg19[%dma_wait3A_281, %dma_wait3A_282] : memref<10096x128xf32, #tpu.memory_space<vmem_shared>> -> memref<10096x128xf32, #tpu.memory_space<vmem_shared>>
        tpu.wait_indirect_dma semaphore(%run_scoped3A : memref<!tpu.dma_semaphore, #tpu.memory_space<semaphore_mem>>) src(%arg16 : memref<96x128xf32, #tpu.memory_space<vmem>>) dst(%dma_wait3A_283 : memref<10096x128xf32, #tpu.memory_space<vmem_shared>>)
        tpu.yield
      }) : () -> ()
      %add3A_181 = arith.constant 4 : i32
      %add3A_182 = arith.addi %add3A_177, %add3A_181 : i32
      %sub3A_183 = arith.constant 1 : i32
      %sub3A_184 = arith.subi %add3A_182, %sub3A_183 : i32
      %add3A_185 = arith.addi %mul3A_4, %sub3A_184 : i32
      %mul3A_186 = arith.constant 96 : i32
      %mul3A_187 = arith.muli %add3A_185, %mul3A_186 : i32
      %dma_wait3A_188 = tpu.memref_slice %arg3[%mul3A_187] : memref<331776xi32, #tpu.memory_space<hbm>> -> memref<96xi32, #tpu.memory_space<hbm>>
      %dma_wait3A_189 = tpu.memref_slice %arg3[%mul3A_187] : memref<331776xi32, #tpu.memory_space<hbm>> -> memref<96xi32, #tpu.memory_space<hbm>>
      tpu.wait_dma2 semaphore(%arg20 : memref<!tpu.dma_semaphore, #tpu.memory_space<semaphore_mem>>) src(%dma_wait3A_189 : memref<96xi32, #tpu.memory_space<hbm>>) dst(%arg7 : memref<96xi32, #tpu.memory_space<vmem>>)
      %add3A_190 = arith.addi %mul3A_4, %sub3A_184 : i32
      %mul3A_191 = arith.constant 96 : i32
      %mul3A_192 = arith.muli %add3A_190, %mul3A_191 : i32
      %dma_wait3A_193 = tpu.memref_slice %arg4[%mul3A_192] : memref<331776xi32, #tpu.memory_space<hbm>> -> memref<96xi32, #tpu.memory_space<hbm>>
      %dma_wait3A_194 = tpu.memref_slice %arg4[%mul3A_192] : memref<331776xi32, #tpu.memory_space<hbm>> -> memref<96xi32, #tpu.memory_space<hbm>>
      tpu.wait_dma2 semaphore(%arg20 : memref<!tpu.dma_semaphore, #tpu.memory_space<semaphore_mem>>) src(%dma_wait3A_194 : memref<96xi32, #tpu.memory_space<hbm>>) dst(%arg11 : memref<96xi32, #tpu.memory_space<vmem>>)
      %dma_start3A_195 = arith.constant 0 : i32
      %dma_start3A_196 = arith.constant 0 : i32
      %dma_start3A_197 = tpu.memref_slice %arg2[%dma_start3A_195, %dma_start3A_196] : memref<10000x128xf32, #tpu.memory_space<hbm>> -> memref<10000x128xf32, #tpu.memory_space<hbm>>
      tpu.enqueue_indirect_dma source(%dma_start3A_197 : memref<10000x128xf32, #tpu.memory_space<hbm>>) target(%arg15 : memref<96x128xf32, #tpu.memory_space<vmem>>) offsets(%arg7 : memref<96xi32, #tpu.memory_space<vmem>>) semaphore(%arg24 : memref<!tpu.dma_semaphore, #tpu.memory_space<semaphore_mem>>)
      %add3A_198 = arith.constant 4 : i32
      %add3A_199 = arith.addi %add3A_177, %add3A_198 : i32
      %add3A_200 = arith.addi %mul3A_4, %add3A_199 : i32
      %mul3A_201 = arith.constant 96 : i32
      %mul3A_202 = arith.muli %add3A_200, %mul3A_201 : i32
      %dma_start3A_203 = tpu.memref_slice %arg3[%mul3A_202] : memref<331776xi32, #tpu.memory_space<hbm>> -> memref<96xi32, #tpu.memory_space<hbm>>
      %dma_start3A_204 = tpu.memref_slice %arg3[%mul3A_202] : memref<331776xi32, #tpu.memory_space<hbm>> -> memref<96xi32, #tpu.memory_space<hbm>>
      tpu.enqueue_dma source(%dma_start3A_204 : memref<96xi32, #tpu.memory_space<hbm>>) target(%arg8 : memref<96xi32, #tpu.memory_space<vmem>>) target_semaphore(%arg21 : memref<!tpu.dma_semaphore, #tpu.memory_space<semaphore_mem>>)
      %add3A_205 = arith.addi %mul3A_4, %add3A_199 : i32
      %mul3A_206 = arith.constant 96 : i32
      %mul3A_207 = arith.muli %add3A_205, %mul3A_206 : i32
      %dma_start3A_208 = tpu.memref_slice %arg4[%mul3A_207] : memref<331776xi32, #tpu.memory_space<hbm>> -> memref<96xi32, #tpu.memory_space<hbm>>
      %dma_start3A_209 = tpu.memref_slice %arg4[%mul3A_207] : memref<331776xi32, #tpu.memory_space<hbm>> -> memref<96xi32, #tpu.memory_space<hbm>>
      tpu.enqueue_dma source(%dma_start3A_209 : memref<96xi32, #tpu.memory_space<hbm>>) target(%arg12 : memref<96xi32, #tpu.memory_space<vmem>>) target_semaphore(%arg21 : memref<!tpu.dma_semaphore, #tpu.memory_space<semaphore_mem>>)
      %add3A_210 = arith.constant 2 : i32
      %add3A_211 = arith.addi %mul3A_142, %add3A_210 : i32
      %dma_wait3A_212 = arith.constant 0 : i32
      %dma_wait3A_213 = arith.constant 0 : i32
      %dma_wait3A_214 = tpu.memref_slice %arg2[%dma_wait3A_212, %dma_wait3A_213] : memref<10000x128xf32, #tpu.memory_space<hbm>> -> memref<10000x128xf32, #tpu.memory_space<hbm>>
      tpu.wait_indirect_dma semaphore(%arg26 : memref<!tpu.dma_semaphore, #tpu.memory_space<semaphore_mem>>) src(%dma_wait3A_214 : memref<10000x128xf32, #tpu.memory_space<hbm>>) dst(%arg17 : memref<96x128xf32, #tpu.memory_space<vmem>>)
      "tpu.region"() ({
        %run_scoped3A = tpu.sem_alloc : memref<!tpu.dma_semaphore, #tpu.memory_space<semaphore_mem>>
        %dma_start3A_278 = arith.constant 0 : i32
        %dma_start3A_279 = arith.constant 0 : i32
        %dma_start3A_280 = tpu.memref_slice %arg19[%dma_start3A_278, %dma_start3A_279] : memref<10096x128xf32, #tpu.memory_space<vmem_shared>> -> memref<10096x128xf32, #tpu.memory_space<vmem_shared>>
        tpu.enqueue_indirect_dma source(%arg17 : memref<96x128xf32, #tpu.memory_space<vmem>>) target(%dma_start3A_280 : memref<10096x128xf32, #tpu.memory_space<vmem_shared>>) offsets(%arg13 : memref<96xi32, #tpu.memory_space<vmem>>) semaphore(%run_scoped3A : memref<!tpu.dma_semaphore, #tpu.memory_space<semaphore_mem>>) {add = true}
        %dma_wait3A_281 = arith.constant 0 : i32
        %dma_wait3A_282 = arith.constant 0 : i32
        %dma_wait3A_283 = tpu.memref_slice %arg19[%dma_wait3A_281, %dma_wait3A_282] : memref<10096x128xf32, #tpu.memory_space<vmem_shared>> -> memref<10096x128xf32, #tpu.memory_space<vmem_shared>>
        tpu.wait_indirect_dma semaphore(%run_scoped3A : memref<!tpu.dma_semaphore, #tpu.memory_space<semaphore_mem>>) src(%arg17 : memref<96x128xf32, #tpu.memory_space<vmem>>) dst(%dma_wait3A_283 : memref<10096x128xf32, #tpu.memory_space<vmem_shared>>)
        tpu.yield
      }) : () -> ()
      %add3A_215 = arith.constant 4 : i32
      %add3A_216 = arith.addi %add3A_211, %add3A_215 : i32
      %sub3A_217 = arith.constant 1 : i32
      %sub3A_218 = arith.subi %add3A_216, %sub3A_217 : i32
      %add3A_219 = arith.addi %mul3A_4, %sub3A_218 : i32
      %mul3A_220 = arith.constant 96 : i32
      %mul3A_221 = arith.muli %add3A_219, %mul3A_220 : i32
      %dma_wait3A_222 = tpu.memref_slice %arg3[%mul3A_221] : memref<331776xi32, #tpu.memory_space<hbm>> -> memref<96xi32, #tpu.memory_space<hbm>>
      %dma_wait3A_223 = tpu.memref_slice %arg3[%mul3A_221] : memref<331776xi32, #tpu.memory_space<hbm>> -> memref<96xi32, #tpu.memory_space<hbm>>
      tpu.wait_dma2 semaphore(%arg21 : memref<!tpu.dma_semaphore, #tpu.memory_space<semaphore_mem>>) src(%dma_wait3A_223 : memref<96xi32, #tpu.memory_space<hbm>>) dst(%arg8 : memref<96xi32, #tpu.memory_space<vmem>>)
      %add3A_224 = arith.addi %mul3A_4, %sub3A_218 : i32
      %mul3A_225 = arith.constant 96 : i32
      %mul3A_226 = arith.muli %add3A_224, %mul3A_225 : i32
      %dma_wait3A_227 = tpu.memref_slice %arg4[%mul3A_226] : memref<331776xi32, #tpu.memory_space<hbm>> -> memref<96xi32, #tpu.memory_space<hbm>>
      %dma_wait3A_228 = tpu.memref_slice %arg4[%mul3A_226] : memref<331776xi32, #tpu.memory_space<hbm>> -> memref<96xi32, #tpu.memory_space<hbm>>
      tpu.wait_dma2 semaphore(%arg21 : memref<!tpu.dma_semaphore, #tpu.memory_space<semaphore_mem>>) src(%dma_wait3A_228 : memref<96xi32, #tpu.memory_space<hbm>>) dst(%arg12 : memref<96xi32, #tpu.memory_space<vmem>>)
      %dma_start3A_229 = arith.constant 0 : i32
      %dma_start3A_230 = arith.constant 0 : i32
      %dma_start3A_231 = tpu.memref_slice %arg2[%dma_start3A_229, %dma_start3A_230] : memref<10000x128xf32, #tpu.memory_space<hbm>> -> memref<10000x128xf32, #tpu.memory_space<hbm>>
      tpu.enqueue_indirect_dma source(%dma_start3A_231 : memref<10000x128xf32, #tpu.memory_space<hbm>>) target(%arg16 : memref<96x128xf32, #tpu.memory_space<vmem>>) offsets(%arg8 : memref<96xi32, #tpu.memory_space<vmem>>) semaphore(%arg25 : memref<!tpu.dma_semaphore, #tpu.memory_space<semaphore_mem>>)
      %add3A_232 = arith.constant 4 : i32
      %add3A_233 = arith.addi %add3A_211, %add3A_232 : i32
      %add3A_234 = arith.addi %mul3A_4, %add3A_233 : i32
      %mul3A_235 = arith.constant 96 : i32
      %mul3A_236 = arith.muli %add3A_234, %mul3A_235 : i32
      %dma_start3A_237 = tpu.memref_slice %arg3[%mul3A_236] : memref<331776xi32, #tpu.memory_space<hbm>> -> memref<96xi32, #tpu.memory_space<hbm>>
      %dma_start3A_238 = tpu.memref_slice %arg3[%mul3A_236] : memref<331776xi32, #tpu.memory_space<hbm>> -> memref<96xi32, #tpu.memory_space<hbm>>
      tpu.enqueue_dma source(%dma_start3A_238 : memref<96xi32, #tpu.memory_space<hbm>>) target(%arg9 : memref<96xi32, #tpu.memory_space<vmem>>) target_semaphore(%arg22 : memref<!tpu.dma_semaphore, #tpu.memory_space<semaphore_mem>>)
      %add3A_239 = arith.addi %mul3A_4, %add3A_233 : i32
      %mul3A_240 = arith.constant 96 : i32
      %mul3A_241 = arith.muli %add3A_239, %mul3A_240 : i32
      %dma_start3A_242 = tpu.memref_slice %arg4[%mul3A_241] : memref<331776xi32, #tpu.memory_space<hbm>> -> memref<96xi32, #tpu.memory_space<hbm>>
      %dma_start3A_243 = tpu.memref_slice %arg4[%mul3A_241] : memref<331776xi32, #tpu.memory_space<hbm>> -> memref<96xi32, #tpu.memory_space<hbm>>
      tpu.enqueue_dma source(%dma_start3A_243 : memref<96xi32, #tpu.memory_space<hbm>>) target(%arg13 : memref<96xi32, #tpu.memory_space<vmem>>) target_semaphore(%arg22 : memref<!tpu.dma_semaphore, #tpu.memory_space<semaphore_mem>>)
      %add3A_244 = arith.constant 3 : i32
      %add3A_245 = arith.addi %mul3A_142, %add3A_244 : i32
      %dma_wait3A_246 = arith.constant 0 : i32
      %dma_wait3A_247 = arith.constant 0 : i32
      %dma_wait3A_248 = tpu.memref_slice %arg2[%dma_wait3A_246, %dma_wait3A_247] : memref<10000x128xf32, #tpu.memory_space<hbm>> -> memref<10000x128xf32, #tpu.memory_space<hbm>>
      tpu.wait_indirect_dma semaphore(%arg27 : memref<!tpu.dma_semaphore, #tpu.memory_space<semaphore_mem>>) src(%dma_wait3A_248 : memref<10000x128xf32, #tpu.memory_space<hbm>>) dst(%arg18 : memref<96x128xf32, #tpu.memory_space<vmem>>)
      "tpu.region"() ({
        %run_scoped3A = tpu.sem_alloc : memref<!tpu.dma_semaphore, #tpu.memory_space<semaphore_mem>>
        %dma_start3A_278 = arith.constant 0 : i32
        %dma_start3A_279 = arith.constant 0 : i32
        %dma_start3A_280 = tpu.memref_slice %arg19[%dma_start3A_278, %dma_start3A_279] : memref<10096x128xf32, #tpu.memory_space<vmem_shared>> -> memref<10096x128xf32, #tpu.memory_space<vmem_shared>>
        tpu.enqueue_indirect_dma source(%arg18 : memref<96x128xf32, #tpu.memory_space<vmem>>) target(%dma_start3A_280 : memref<10096x128xf32, #tpu.memory_space<vmem_shared>>) offsets(%arg14 : memref<96xi32, #tpu.memory_space<vmem>>) semaphore(%run_scoped3A : memref<!tpu.dma_semaphore, #tpu.memory_space<semaphore_mem>>) {add = true}
        %dma_wait3A_281 = arith.constant 0 : i32
        %dma_wait3A_282 = arith.constant 0 : i32
        %dma_wait3A_283 = tpu.memref_slice %arg19[%dma_wait3A_281, %dma_wait3A_282] : memref<10096x128xf32, #tpu.memory_space<vmem_shared>> -> memref<10096x128xf32, #tpu.memory_space<vmem_shared>>
        tpu.wait_indirect_dma semaphore(%run_scoped3A : memref<!tpu.dma_semaphore, #tpu.memory_space<semaphore_mem>>) src(%arg18 : memref<96x128xf32, #tpu.memory_space<vmem>>) dst(%dma_wait3A_283 : memref<10096x128xf32, #tpu.memory_space<vmem_shared>>)
        tpu.yield
      }) : () -> ()
      %add3A_249 = arith.constant 4 : i32
      %add3A_250 = arith.addi %add3A_245, %add3A_249 : i32
      %sub3A_251 = arith.constant 1 : i32
      %sub3A_252 = arith.subi %add3A_250, %sub3A_251 : i32
      %add3A_253 = arith.addi %mul3A_4, %sub3A_252 : i32
      %mul3A_254 = arith.constant 96 : i32
      %mul3A_255 = arith.muli %add3A_253, %mul3A_254 : i32
      %dma_wait3A_256 = tpu.memref_slice %arg3[%mul3A_255] : memref<331776xi32, #tpu.memory_space<hbm>> -> memref<96xi32, #tpu.memory_space<hbm>>
      %dma_wait3A_257 = tpu.memref_slice %arg3[%mul3A_255] : memref<331776xi32, #tpu.memory_space<hbm>> -> memref<96xi32, #tpu.memory_space<hbm>>
      tpu.wait_dma2 semaphore(%arg22 : memref<!tpu.dma_semaphore, #tpu.memory_space<semaphore_mem>>) src(%dma_wait3A_257 : memref<96xi32, #tpu.memory_space<hbm>>) dst(%arg9 : memref<96xi32, #tpu.memory_space<vmem>>)
      %add3A_258 = arith.addi %mul3A_4, %sub3A_252 : i32
      %mul3A_259 = arith.constant 96 : i32
      %mul3A_260 = arith.muli %add3A_258, %mul3A_259 : i32
      %dma_wait3A_261 = tpu.memref_slice %arg4[%mul3A_260] : memref<331776xi32, #tpu.memory_space<hbm>> -> memref<96xi32, #tpu.memory_space<hbm>>
      %dma_wait3A_262 = tpu.memref_slice %arg4[%mul3A_260] : memref<331776xi32, #tpu.memory_space<hbm>> -> memref<96xi32, #tpu.memory_space<hbm>>
      tpu.wait_dma2 semaphore(%arg22 : memref<!tpu.dma_semaphore, #tpu.memory_space<semaphore_mem>>) src(%dma_wait3A_262 : memref<96xi32, #tpu.memory_space<hbm>>) dst(%arg13 : memref<96xi32, #tpu.memory_space<vmem>>)
      %dma_start3A_263 = arith.constant 0 : i32
      %dma_start3A_264 = arith.constant 0 : i32
      %dma_start3A_265 = tpu.memref_slice %arg2[%dma_start3A_263, %dma_start3A_264] : memref<10000x128xf32, #tpu.memory_space<hbm>> -> memref<10000x128xf32, #tpu.memory_space<hbm>>
      tpu.enqueue_indirect_dma source(%dma_start3A_265 : memref<10000x128xf32, #tpu.memory_space<hbm>>) target(%arg17 : memref<96x128xf32, #tpu.memory_space<vmem>>) offsets(%arg9 : memref<96xi32, #tpu.memory_space<vmem>>) semaphore(%arg26 : memref<!tpu.dma_semaphore, #tpu.memory_space<semaphore_mem>>)
      %add3A_266 = arith.constant 4 : i32
      %add3A_267 = arith.addi %add3A_245, %add3A_266 : i32
      %add3A_268 = arith.addi %mul3A_4, %add3A_267 : i32
      %mul3A_269 = arith.constant 96 : i32
      %mul3A_270 = arith.muli %add3A_268, %mul3A_269 : i32
      %dma_start3A_271 = tpu.memref_slice %arg3[%mul3A_270] : memref<331776xi32, #tpu.memory_space<hbm>> -> memref<96xi32, #tpu.memory_space<hbm>>
      %dma_start3A_272 = tpu.memref_slice %arg3[%mul3A_270] : memref<331776xi32, #tpu.memory_space<hbm>> -> memref<96xi32, #tpu.memory_space<hbm>>
      tpu.enqueue_dma source(%dma_start3A_272 : memref<96xi32, #tpu.memory_space<hbm>>) target(%arg10 : memref<96xi32, #tpu.memory_space<vmem>>) target_semaphore(%arg23 : memref<!tpu.dma_semaphore, #tpu.memory_space<semaphore_mem>>)
      %add3A_273 = arith.addi %mul3A_4, %add3A_267 : i32
      %mul3A_274 = arith.constant 96 : i32
      %mul3A_275 = arith.muli %add3A_273, %mul3A_274 : i32
      %dma_start3A_276 = tpu.memref_slice %arg4[%mul3A_275] : memref<331776xi32, #tpu.memory_space<hbm>> -> memref<96xi32, #tpu.memory_space<hbm>>
      %dma_start3A_277 = tpu.memref_slice %arg4[%mul3A_275] : memref<331776xi32, #tpu.memory_space<hbm>> -> memref<96xi32, #tpu.memory_space<hbm>>
      tpu.enqueue_dma source(%dma_start3A_277 : memref<96xi32, #tpu.memory_space<hbm>>) target(%arg14 : memref<96xi32, #tpu.memory_space<vmem>>) target_semaphore(%arg23 : memref<!tpu.dma_semaphore, #tpu.memory_space<semaphore_mem>>)
    }
    %scan3A_106 = arith.constant 26 : i32
    %dma_wait3A_107 = arith.constant 0 : i32
    %dma_wait3A_108 = arith.constant 0 : i32
    %dma_wait3A_109 = tpu.memref_slice %arg2[%dma_wait3A_107, %dma_wait3A_108] : memref<10000x128xf32, #tpu.memory_space<hbm>> -> memref<10000x128xf32, #tpu.memory_space<hbm>>
    tpu.wait_indirect_dma semaphore(%arg24 : memref<!tpu.dma_semaphore, #tpu.memory_space<semaphore_mem>>) src(%dma_wait3A_109 : memref<10000x128xf32, #tpu.memory_space<hbm>>) dst(%arg15 : memref<96x128xf32, #tpu.memory_space<vmem>>)
    "tpu.region"() ({
      %run_scoped3A = tpu.sem_alloc : memref<!tpu.dma_semaphore, #tpu.memory_space<semaphore_mem>>
      %dma_start3A_140 = arith.constant 0 : i32
      %dma_start3A_141 = arith.constant 0 : i32
      %dma_start3A_142 = tpu.memref_slice %arg19[%dma_start3A_140, %dma_start3A_141] : memref<10096x128xf32, #tpu.memory_space<vmem_shared>> -> memref<10096x128xf32, #tpu.memory_space<vmem_shared>>
      tpu.enqueue_indirect_dma source(%arg15 : memref<96x128xf32, #tpu.memory_space<vmem>>) target(%dma_start3A_142 : memref<10096x128xf32, #tpu.memory_space<vmem_shared>>) offsets(%arg11 : memref<96xi32, #tpu.memory_space<vmem>>) semaphore(%run_scoped3A : memref<!tpu.dma_semaphore, #tpu.memory_space<semaphore_mem>>) {add = true}
      %dma_wait3A_143 = arith.constant 0 : i32
      %dma_wait3A_144 = arith.constant 0 : i32
      %dma_wait3A_145 = tpu.memref_slice %arg19[%dma_wait3A_143, %dma_wait3A_144] : memref<10096x128xf32, #tpu.memory_space<vmem_shared>> -> memref<10096x128xf32, #tpu.memory_space<vmem_shared>>
      tpu.wait_indirect_dma semaphore(%run_scoped3A : memref<!tpu.dma_semaphore, #tpu.memory_space<semaphore_mem>>) src(%arg15 : memref<96x128xf32, #tpu.memory_space<vmem>>) dst(%dma_wait3A_145 : memref<10096x128xf32, #tpu.memory_space<vmem_shared>>)
      tpu.yield
    }) : () -> ()
    %add3A_110 = arith.constant 107 : i32
    %add3A_111 = arith.addi %mul3A_4, %add3A_110 : i32
    %mul3A_112 = arith.constant 96 : i32
    %mul3A_113 = arith.muli %add3A_111, %mul3A_112 : i32
    %dma_wait3A_114 = tpu.memref_slice %arg3[%mul3A_113] : memref<331776xi32, #tpu.memory_space<hbm>> -> memref<96xi32, #tpu.memory_space<hbm>>
    %dma_wait3A_115 = tpu.memref_slice %arg3[%mul3A_113] : memref<331776xi32, #tpu.memory_space<hbm>> -> memref<96xi32, #tpu.memory_space<hbm>>
    tpu.wait_dma2 semaphore(%arg23 : memref<!tpu.dma_semaphore, #tpu.memory_space<semaphore_mem>>) src(%dma_wait3A_115 : memref<96xi32, #tpu.memory_space<hbm>>) dst(%arg10 : memref<96xi32, #tpu.memory_space<vmem>>)
    %add3A_116 = arith.constant 107 : i32
    %add3A_117 = arith.addi %mul3A_4, %add3A_116 : i32
    %mul3A_118 = arith.constant 96 : i32
    %mul3A_119 = arith.muli %add3A_117, %mul3A_118 : i32
    %dma_wait3A_120 = tpu.memref_slice %arg4[%mul3A_119] : memref<331776xi32, #tpu.memory_space<hbm>> -> memref<96xi32, #tpu.memory_space<hbm>>
    %dma_wait3A_121 = tpu.memref_slice %arg4[%mul3A_119] : memref<331776xi32, #tpu.memory_space<hbm>> -> memref<96xi32, #tpu.memory_space<hbm>>
    tpu.wait_dma2 semaphore(%arg23 : memref<!tpu.dma_semaphore, #tpu.memory_space<semaphore_mem>>) src(%dma_wait3A_121 : memref<96xi32, #tpu.memory_space<hbm>>) dst(%arg14 : memref<96xi32, #tpu.memory_space<vmem>>)
    %dma_start3A_122 = arith.constant 0 : i32
    %dma_start3A_123 = arith.constant 0 : i32
    %dma_start3A_124 = tpu.memref_slice %arg2[%dma_start3A_122, %dma_start3A_123] : memref<10000x128xf32, #tpu.memory_space<hbm>> -> memref<10000x128xf32, #tpu.memory_space<hbm>>
    tpu.enqueue_indirect_dma source(%dma_start3A_124 : memref<10000x128xf32, #tpu.memory_space<hbm>>) target(%arg18 : memref<96x128xf32, #tpu.memory_space<vmem>>) offsets(%arg10 : memref<96xi32, #tpu.memory_space<vmem>>) semaphore(%arg27 : memref<!tpu.dma_semaphore, #tpu.memory_space<semaphore_mem>>)
    %dma_wait3A_125 = arith.constant 0 : i32
    %dma_wait3A_126 = arith.constant 0 : i32
    %dma_wait3A_127 = tpu.memref_slice %arg2[%dma_wait3A_125, %dma_wait3A_126] : memref<10000x128xf32, #tpu.memory_space<hbm>> -> memref<10000x128xf32, #tpu.memory_space<hbm>>
    tpu.wait_indirect_dma semaphore(%arg25 : memref<!tpu.dma_semaphore, #tpu.memory_space<semaphore_mem>>) src(%dma_wait3A_127 : memref<10000x128xf32, #tpu.memory_space<hbm>>) dst(%arg16 : memref<96x128xf32, #tpu.memory_space<vmem>>)
    "tpu.region"() ({
      %run_scoped3A = tpu.sem_alloc : memref<!tpu.dma_semaphore, #tpu.memory_space<semaphore_mem>>
      %dma_start3A_140 = arith.constant 0 : i32
      %dma_start3A_141 = arith.constant 0 : i32
      %dma_start3A_142 = tpu.memref_slice %arg19[%dma_start3A_140, %dma_start3A_141] : memref<10096x128xf32, #tpu.memory_space<vmem_shared>> -> memref<10096x128xf32, #tpu.memory_space<vmem_shared>>
      tpu.enqueue_indirect_dma source(%arg16 : memref<96x128xf32, #tpu.memory_space<vmem>>) target(%dma_start3A_142 : memref<10096x128xf32, #tpu.memory_space<vmem_shared>>) offsets(%arg12 : memref<96xi32, #tpu.memory_space<vmem>>) semaphore(%run_scoped3A : memref<!tpu.dma_semaphore, #tpu.memory_space<semaphore_mem>>) {add = true}
      %dma_wait3A_143 = arith.constant 0 : i32
      %dma_wait3A_144 = arith.constant 0 : i32
      %dma_wait3A_145 = tpu.memref_slice %arg19[%dma_wait3A_143, %dma_wait3A_144] : memref<10096x128xf32, #tpu.memory_space<vmem_shared>> -> memref<10096x128xf32, #tpu.memory_space<vmem_shared>>
      tpu.wait_indirect_dma semaphore(%run_scoped3A : memref<!tpu.dma_semaphore, #tpu.memory_space<semaphore_mem>>) src(%arg16 : memref<96x128xf32, #tpu.memory_space<vmem>>) dst(%dma_wait3A_145 : memref<10096x128xf32, #tpu.memory_space<vmem_shared>>)
      tpu.yield
    }) : () -> ()
    %dma_wait3A_128 = arith.constant 0 : i32
    %dma_wait3A_129 = arith.constant 0 : i32
    %dma_wait3A_130 = tpu.memref_slice %arg2[%dma_wait3A_128, %dma_wait3A_129] : memref<10000x128xf32, #tpu.memory_space<hbm>> -> memref<10000x128xf32, #tpu.memory_space<hbm>>
    tpu.wait_indirect_dma semaphore(%arg26 : memref<!tpu.dma_semaphore, #tpu.memory_space<semaphore_mem>>) src(%dma_wait3A_130 : memref<10000x128xf32, #tpu.memory_space<hbm>>) dst(%arg17 : memref<96x128xf32, #tpu.memory_space<vmem>>)
    "tpu.region"() ({
      %run_scoped3A = tpu.sem_alloc : memref<!tpu.dma_semaphore, #tpu.memory_space<semaphore_mem>>
      %dma_start3A_140 = arith.constant 0 : i32
      %dma_start3A_141 = arith.constant 0 : i32
      %dma_start3A_142 = tpu.memref_slice %arg19[%dma_start3A_140, %dma_start3A_141] : memref<10096x128xf32, #tpu.memory_space<vmem_shared>> -> memref<10096x128xf32, #tpu.memory_space<vmem_shared>>
      tpu.enqueue_indirect_dma source(%arg17 : memref<96x128xf32, #tpu.memory_space<vmem>>) target(%dma_start3A_142 : memref<10096x128xf32, #tpu.memory_space<vmem_shared>>) offsets(%arg13 : memref<96xi32, #tpu.memory_space<vmem>>) semaphore(%run_scoped3A : memref<!tpu.dma_semaphore, #tpu.memory_space<semaphore_mem>>) {add = true}
      %dma_wait3A_143 = arith.constant 0 : i32
      %dma_wait3A_144 = arith.constant 0 : i32
      %dma_wait3A_145 = tpu.memref_slice %arg19[%dma_wait3A_143, %dma_wait3A_144] : memref<10096x128xf32, #tpu.memory_space<vmem_shared>> -> memref<10096x128xf32, #tpu.memory_space<vmem_shared>>
      tpu.wait_indirect_dma semaphore(%run_scoped3A : memref<!tpu.dma_semaphore, #tpu.memory_space<semaphore_mem>>) src(%arg17 : memref<96x128xf32, #tpu.memory_space<vmem>>) dst(%dma_wait3A_145 : memref<10096x128xf32, #tpu.memory_space<vmem_shared>>)
      tpu.yield
    }) : () -> ()
    %dma_wait3A_131 = arith.constant 0 : i32
    %dma_wait3A_132 = arith.constant 0 : i32
    %dma_wait3A_133 = tpu.memref_slice %arg2[%dma_wait3A_131, %dma_wait3A_132] : memref<10000x128xf32, #tpu.memory_space<hbm>> -> memref<10000x128xf32, #tpu.memory_space<hbm>>
    tpu.wait_indirect_dma semaphore(%arg27 : memref<!tpu.dma_semaphore, #tpu.memory_space<semaphore_mem>>) src(%dma_wait3A_133 : memref<10000x128xf32, #tpu.memory_space<hbm>>) dst(%arg18 : memref<96x128xf32, #tpu.memory_space<vmem>>)
    "tpu.region"() ({
      %run_scoped3A = tpu.sem_alloc : memref<!tpu.dma_semaphore, #tpu.memory_space<semaphore_mem>>
      %dma_start3A_140 = arith.constant 0 : i32
      %dma_start3A_141 = arith.constant 0 : i32
      %dma_start3A_142 = tpu.memref_slice %arg19[%dma_start3A_140, %dma_start3A_141] : memref<10096x128xf32, #tpu.memory_space<vmem_shared>> -> memref<10096x128xf32, #tpu.memory_space<vmem_shared>>
      tpu.enqueue_indirect_dma source(%arg18 : memref<96x128xf32, #tpu.memory_space<vmem>>) target(%dma_start3A_142 : memref<10096x128xf32, #tpu.memory_space<vmem_shared>>) offsets(%arg14 : memref<96xi32, #tpu.memory_space<vmem>>) semaphore(%run_scoped3A : memref<!tpu.dma_semaphore, #tpu.memory_space<semaphore_mem>>) {add = true}
      %dma_wait3A_143 = arith.constant 0 : i32
      %dma_wait3A_144 = arith.constant 0 : i32
      %dma_wait3A_145 = tpu.memref_slice %arg19[%dma_wait3A_143, %dma_wait3A_144] : memref<10096x128xf32, #tpu.memory_space<vmem_shared>> -> memref<10096x128xf32, #tpu.memory_space<vmem_shared>>
      tpu.wait_indirect_dma semaphore(%run_scoped3A : memref<!tpu.dma_semaphore, #tpu.memory_space<semaphore_mem>>) src(%arg18 : memref<96x128xf32, #tpu.memory_space<vmem>>) dst(%dma_wait3A_145 : memref<10096x128xf32, #tpu.memory_space<vmem_shared>>)
      tpu.yield
    }) : () -> ()
    %barrier3A_134 = arith.constant 0 : index
    tpu.barrier barrier_id(%barrier3A_134)
    "tpu.region"() ({
      %run_scoped3A = tpu.sem_alloc : memref<!tpu.dma_semaphore, #tpu.memory_space<semaphore_mem>>
      %dma_start3A_140 = arith.constant 0 : i32
      %dma_start3A_141 = tpu.memref_slice %arg6[%arg0, %mul3A_0, %dma_start3A_140] : memref<2x10000x128xf32, #tpu.memory_space<hbm>> -> memref<1x624x128xf32, #tpu.memory_space<hbm>>
      %dma_start3A_142 = tpu.memref_squeeze %dma_start3A_141 : memref<1x624x128xf32, #tpu.memory_space<hbm>> -> memref<624x128xf32, #tpu.memory_space<hbm>>
      %dma_start3A_143 = arith.constant 0 : i32
      %dma_start3A_144 = tpu.memref_slice %arg19[%mul3A_0, %dma_start3A_143] : memref<10096x128xf32, #tpu.memory_space<vmem_shared>> -> memref<624x128xf32, #tpu.memory_space<vmem_shared>>
      tpu.enqueue_dma source(%dma_start3A_144 : memref<624x128xf32, #tpu.memory_space<vmem_shared>>) target(%dma_start3A_142 : memref<624x128xf32, #tpu.memory_space<hbm>>) target_semaphore(%run_scoped3A : memref<!tpu.dma_semaphore, #tpu.memory_space<semaphore_mem>>)
      %dma_wait3A_145 = arith.constant 0 : i32
      %dma_wait3A_146 = tpu.memref_slice %arg6[%arg0, %mul3A_0, %dma_wait3A_145] : memref<2x10000x128xf32, #tpu.memory_space<hbm>> -> memref<1x624x128xf32, #tpu.memory_space<hbm>>
      %dma_wait3A_147 = tpu.memref_squeeze %dma_wait3A_146 : memref<1x624x128xf32, #tpu.memory_space<hbm>> -> memref<624x128xf32, #tpu.memory_space<hbm>>
      %dma_wait3A_148 = arith.constant 0 : i32
      %dma_wait3A_149 = tpu.memref_slice %arg19[%mul3A_0, %dma_wait3A_148] : memref<10096x128xf32, #tpu.memory_space<vmem_shared>> -> memref<624x128xf32, #tpu.memory_space<vmem_shared>>
      tpu.wait_dma2 semaphore(%run_scoped3A : memref<!tpu.dma_semaphore, #tpu.memory_space<semaphore_mem>>) src(%dma_wait3A_149 : memref<624x128xf32, #tpu.memory_space<vmem_shared>>) dst(%dma_wait3A_147 : memref<624x128xf32, #tpu.memory_space<hbm>>)
      tpu.yield
    }) : () -> ()
    %eq3A_135 = arith.constant 15 : i32
    %eq3A_136 = arith.cmpi eq, %arg1, %eq3A_135 : i32
    %convert_element_type3A_137 = arith.extui %eq3A_136 : i1 to i32
    %cond3A_138 = arith.constant 0 : i32
    %cond3A_139 = arith.cmpi ne, %convert_element_type3A_137, %cond3A_138 : i32
    scf.if %cond3A_139 {
      "tpu.region"() ({
        %run_scoped3A = tpu.sem_alloc : memref<!tpu.dma_semaphore, #tpu.memory_space<semaphore_mem>>
        %dma_start3A_140 = arith.constant 9984 : i32
        %dma_start3A_141 = arith.constant 0 : i32
        %dma_start3A_142 = tpu.memref_slice %arg6[%arg0, %dma_start3A_140, %dma_start3A_141] : memref<2x10000x128xf32, #tpu.memory_space<hbm>> -> memref<1x16x128xf32, #tpu.memory_space<hbm>>
        %dma_start3A_143 = tpu.memref_squeeze %dma_start3A_142 : memref<1x16x128xf32, #tpu.memory_space<hbm>> -> memref<16x128xf32, #tpu.memory_space<hbm>>
        %dma_start3A_144 = arith.constant 9984 : i32
        %dma_start3A_145 = arith.constant 0 : i32
        %dma_start3A_146 = tpu.memref_slice %arg19[%dma_start3A_144, %dma_start3A_145] : memref<10096x128xf32, #tpu.memory_space<vmem_shared>> -> memref<16x128xf32, #tpu.memory_space<vmem_shared>>
        tpu.enqueue_dma source(%dma_start3A_146 : memref<16x128xf32, #tpu.memory_space<vmem_shared>>) target(%dma_start3A_143 : memref<16x128xf32, #tpu.memory_space<hbm>>) target_semaphore(%run_scoped3A : memref<!tpu.dma_semaphore, #tpu.memory_space<semaphore_mem>>)
        %dma_wait3A_147 = arith.constant 9984 : i32
        %dma_wait3A_148 = arith.constant 0 : i32
        %dma_wait3A_149 = tpu.memref_slice %arg6[%arg0, %dma_wait3A_147, %dma_wait3A_148] : memref<2x10000x128xf32, #tpu.memory_space<hbm>> -> memref<1x16x128xf32, #tpu.memory_space<hbm>>
        %dma_wait3A_150 = tpu.memref_squeeze %dma_wait3A_149 : memref<1x16x128xf32, #tpu.memory_space<hbm>> -> memref<16x128xf32, #tpu.memory_space<hbm>>
        %dma_wait3A_151 = arith.constant 9984 : i32
        %dma_wait3A_152 = arith.constant 0 : i32
        %dma_wait3A_153 = tpu.memref_slice %arg19[%dma_wait3A_151, %dma_wait3A_152] : memref<10096x128xf32, #tpu.memory_space<vmem_shared>> -> memref<16x128xf32, #tpu.memory_space<vmem_shared>>
        tpu.wait_dma2 semaphore(%run_scoped3A : memref<!tpu.dma_semaphore, #tpu.memory_space<semaphore_mem>>) src(%dma_wait3A_153 : memref<16x128xf32, #tpu.memory_space<vmem_shared>>) dst(%dma_wait3A_150 : memref<16x128xf32, #tpu.memory_space<hbm>>)
        tpu.yield
      }) : () -> ()
    } else {
    }
    return
  }
}

module attributes {stable_mosaic.version = 14 : i64} {
  func.func @_mlp_body(%arg0: i32, %arg1: memref<2x2000x128xf32, #tpu.memory_space<vmem>>, %arg2: memref<128x16xf32, #tpu.memory_space<vmem>>, %arg3: memref<1x16xf32, #tpu.memory_space<vmem>>, %arg4: memref<16x128xf32, #tpu.memory_space<vmem>>, %arg5: memref<1x128xf32, #tpu.memory_space<vmem>>, %arg6: memref<2000x128xf32, #tpu.memory_space<vmem>>) attributes {dimension_semantics = [#tpu.dimension_semantics<arbitrary>], iteration_bounds = array<i64: 5>, scalar_prefetch = 0 : i64, scratch_operands = 0 : i64, tpu.core_type = #tpu.core_type<tc>, window_params = [{transform_indices = @transform_0, window_bounds = array<i64: 2, 2000, 128>}, {pipeline_mode = #tpu.pipeline_mode<synchronous>, transform_indices = @transform_1, window_bounds = array<i64: 128, 16>}, {pipeline_mode = #tpu.pipeline_mode<synchronous>, transform_indices = @transform_2, window_bounds = array<i64: 1, 16>}, {pipeline_mode = #tpu.pipeline_mode<synchronous>, transform_indices = @transform_3, window_bounds = array<i64: 16, 128>}, {pipeline_mode = #tpu.pipeline_mode<synchronous>, transform_indices = @transform_4, window_bounds = array<i64: 1, 128>}, {transform_indices = @transform_5, window_bounds = array<i64: 2000, 128>}]} {
    %get3A = arith.constant 0 : index
    %get3A_0 = arith.constant 0 : index
    %get3A_1 = arith.constant 0 : index
    %get3A_2 = vector.load %arg1[%get3A, %get3A_0, %get3A_1] : memref<2x2000x128xf32, #tpu.memory_space<vmem>>, vector<1x2000x128xf32>
    %get3A_3 = vector.shape_cast %get3A_2 : vector<1x2000x128xf32> to vector<2000x128xf32>
    %get3A_4 = arith.constant 1 : index
    %get3A_5 = arith.constant 0 : index
    %get3A_6 = arith.constant 0 : index
    %get3A_7 = vector.load %arg1[%get3A_4, %get3A_5, %get3A_6] : memref<2x2000x128xf32, #tpu.memory_space<vmem>>, vector<1x2000x128xf32>
    %get3A_8 = vector.shape_cast %get3A_7 : vector<1x2000x128xf32> to vector<2000x128xf32>
    %add3A = arith.addf %get3A_3, %get3A_8 : vector<2000x128xf32>
    %get3A_9 = arith.constant 0 : index
    %get3A_10 = arith.constant 0 : index
    %get3A_11 = vector.load %arg2[%get3A_9, %get3A_10] : memref<128x16xf32, #tpu.memory_space<vmem>>, vector<128x16xf32>
    %dot_general3A = arith.constant dense<0.000000e+00> : vector<2000x16xf32>
    %dot_general3A_12 = tpu.matmul %add3A, %get3A_11, %dot_general3A {dimension_numbers = #tpu.dot_dimension_numbers<[1], [0], [0], [1], [0, 0, 1, 1], [], []>, transpose_lhs_hint = false} : vector<2000x128xf32>, vector<128x16xf32>, vector<2000x16xf32> -> vector<2000x16xf32>
    %get3A_13 = arith.constant 0 : index
    %get3A_14 = arith.constant 0 : index
    %get3A_15 = vector.load %arg3[%get3A_13, %get3A_14] : memref<1x16xf32, #tpu.memory_space<vmem>>, vector<1x16xf32>
    %add3A_16 = vector.broadcast %get3A_15 : vector<1x16xf32> to vector<2000x16xf32>
    %add3A_17 = arith.addf %dot_general3A_12, %add3A_16 : vector<2000x16xf32>
    %max3A = arith.constant 0.000000e+00 : f32
    %max3A_18 = vector.broadcast %max3A : f32 to vector<2000x16xf32>
    %max3A_19 = arith.maximumf %add3A_17, %max3A_18 : vector<2000x16xf32>
    %get3A_20 = arith.constant 0 : index
    %get3A_21 = arith.constant 0 : index
    %get3A_22 = vector.load %arg4[%get3A_20, %get3A_21] : memref<16x128xf32, #tpu.memory_space<vmem>>, vector<16x128xf32>
    %dot_general3A_23 = arith.constant dense<0.000000e+00> : vector<2000x128xf32>
    %dot_general3A_24 = tpu.matmul %max3A_19, %get3A_22, %dot_general3A_23 {dimension_numbers = #tpu.dot_dimension_numbers<[1], [0], [0], [1], [0, 0, 1, 1], [], []>, transpose_lhs_hint = false} : vector<2000x16xf32>, vector<16x128xf32>, vector<2000x128xf32> -> vector<2000x128xf32>
    %get3A_25 = arith.constant 0 : index
    %get3A_26 = arith.constant 0 : index
    %get3A_27 = vector.load %arg5[%get3A_25, %get3A_26] : memref<1x128xf32, #tpu.memory_space<vmem>>, vector<1x128xf32>
    %add3A_28 = vector.broadcast %get3A_27 : vector<1x128xf32> to vector<2000x128xf32>
    %add3A_29 = arith.addf %dot_general3A_24, %add3A_28 : vector<2000x128xf32>
    %max3A_30 = arith.constant 0.000000e+00 : f32
    %max3A_31 = vector.broadcast %max3A_30 : f32 to vector<2000x128xf32>
    %max3A_32 = arith.maximumf %add3A_29, %max3A_31 : vector<2000x128xf32>
    %swap3A = arith.constant 0 : index
    %swap3A_33 = arith.constant 0 : index
    %swap3A_34 = vector.load %arg6[%swap3A, %swap3A_33] : memref<2000x128xf32, #tpu.memory_space<vmem>>, vector<2000x128xf32>
    tpu.vector_store %arg6[%swap3A, %swap3A_33], %max3A_32 {strides = array<i32>} : memref<2000x128xf32, #tpu.memory_space<vmem>>, vector<2000x128xf32>,
    return
  }
  func.func @transform_0(%arg0: i32) -> (i32, i32, i32) {
    %c0_i32 = arith.constant 0 : i32
    %c0_i32_0 = arith.constant 0 : i32
    %c0_i32_1 = arith.constant 0 : i32
    return %c0_i32, %arg0, %c0_i32_0 : i32, i32, i32
  }
  func.func @transform_1(%arg0: i32) -> (i32, i32) {
    %c0_i32 = arith.constant 0 : i32
    %c0_i32_0 = arith.constant 0 : i32
    %c0_i32_1 = arith.constant 0 : i32
    return %c0_i32, %c0_i32_0 : i32, i32
  }
  func.func @transform_2(%arg0: i32) -> (i32, i32) {
    %c0_i32 = arith.constant 0 : i32
    %c0_i32_0 = arith.constant 0 : i32
    %c0_i32_1 = arith.constant 0 : i32
    return %c0_i32, %c0_i32_0 : i32, i32
  }
  func.func @transform_3(%arg0: i32) -> (i32, i32) {
    %c0_i32 = arith.constant 0 : i32
    %c0_i32_0 = arith.constant 0 : i32
    %c0_i32_1 = arith.constant 0 : i32
    return %c0_i32, %c0_i32_0 : i32, i32
  }
  func.func @transform_4(%arg0: i32) -> (i32, i32) {
    %c0_i32 = arith.constant 0 : i32
    %c0_i32_0 = arith.constant 0 : i32
    %c0_i32_1 = arith.constant 0 : i32
    return %c0_i32, %c0_i32_0 : i32, i32
  }
  func.func @transform_5(%arg0: i32) -> (i32, i32) {
    %c0_i32 = arith.constant 0 : i32
    %c0_i32_0 = arith.constant 0 : i32
    return %arg0, %c0_i32 : i32, i32
  }
}

module attributes {stable_mosaic.version = 14 : i64} {
  func.func @_mlp_body(%arg0: i32, %arg1: memref<2x2000x128xf32, #tpu.memory_space<vmem>>, %arg2: memref<128x16xf32, #tpu.memory_space<vmem>>, %arg3: memref<1x16xf32, #tpu.memory_space<vmem>>, %arg4: memref<16x128xf32, #tpu.memory_space<vmem>>, %arg5: memref<1x128xf32, #tpu.memory_space<vmem>>, %arg6: memref<2000x128xf32, #tpu.memory_space<vmem>>) attributes {dimension_semantics = [#tpu.dimension_semantics<arbitrary>], iteration_bounds = array<i64: 5>, scalar_prefetch = 0 : i64, scratch_operands = 0 : i64, tpu.core_type = #tpu.core_type<tc>, window_params = [{transform_indices = @transform_0, window_bounds = array<i64: 2, 2000, 128>}, {pipeline_mode = #tpu.pipeline_mode<synchronous>, transform_indices = @transform_1, window_bounds = array<i64: 128, 16>}, {pipeline_mode = #tpu.pipeline_mode<synchronous>, transform_indices = @transform_2, window_bounds = array<i64: 1, 16>}, {pipeline_mode = #tpu.pipeline_mode<synchronous>, transform_indices = @transform_3, window_bounds = array<i64: 16, 128>}, {pipeline_mode = #tpu.pipeline_mode<synchronous>, transform_indices = @transform_4, window_bounds = array<i64: 1, 128>}, {transform_indices = @transform_5, window_bounds = array<i64: 2000, 128>}]} {
    %get3A = arith.constant 0 : index
    %get3A_0 = arith.constant 0 : index
    %get3A_1 = arith.constant 0 : index
    %get3A_2 = vector.load %arg1[%get3A, %get3A_0, %get3A_1] : memref<2x2000x128xf32, #tpu.memory_space<vmem>>, vector<1x2000x128xf32>
    %get3A_3 = vector.shape_cast %get3A_2 : vector<1x2000x128xf32> to vector<2000x128xf32>
    %get3A_4 = arith.constant 1 : index
    %get3A_5 = arith.constant 0 : index
    %get3A_6 = arith.constant 0 : index
    %get3A_7 = vector.load %arg1[%get3A_4, %get3A_5, %get3A_6] : memref<2x2000x128xf32, #tpu.memory_space<vmem>>, vector<1x2000x128xf32>
    %get3A_8 = vector.shape_cast %get3A_7 : vector<1x2000x128xf32> to vector<2000x128xf32>
    %add3A = arith.addf %get3A_3, %get3A_8 : vector<2000x128xf32>
    %get3A_9 = arith.constant 0 : index
    %get3A_10 = arith.constant 0 : index
    %get3A_11 = vector.load %arg2[%get3A_9, %get3A_10] : memref<128x16xf32, #tpu.memory_space<vmem>>, vector<128x16xf32>
    %dot_general3A = arith.constant dense<0.000000e+00> : vector<2000x16xf32>
    %dot_general3A_12 = tpu.matmul %add3A, %get3A_11, %dot_general3A {dimension_numbers = #tpu.dot_dimension_numbers<[1], [0], [0], [1], [0, 0, 1, 1], [], []>, transpose_lhs_hint = false} : vector<2000x128xf32>, vector<128x16xf32>, vector<2000x16xf32> -> vector<2000x16xf32>
    %get3A_13 = arith.constant 0 : index
    %get3A_14 = arith.constant 0 : index
    %get3A_15 = vector.load %arg3[%get3A_13, %get3A_14] : memref<1x16xf32, #tpu.memory_space<vmem>>, vector<1x16xf32>
    %add3A_16 = vector.broadcast %get3A_15 : vector<1x16xf32> to vector<2000x16xf32>
    %add3A_17 = arith.addf %dot_general3A_12, %add3A_16 : vector<2000x16xf32>
    %max3A = arith.constant 0.000000e+00 : f32
    %max3A_18 = vector.broadcast %max3A : f32 to vector<2000x16xf32>
    %max3A_19 = arith.maximumf %add3A_17, %max3A_18 : vector<2000x16xf32>
    %get3A_20 = arith.constant 0 : index
    %get3A_21 = arith.constant 0 : index
    %get3A_22 = vector.load %arg4[%get3A_20, %get3A_21] : memref<16x128xf32, #tpu.memory_space<vmem>>, vector<16x128xf32>
    %dot_general3A_23 = arith.constant dense<0.000000e+00> : vector<2000x128xf32>
    %dot_general3A_24 = tpu.matmul %max3A_19, %get3A_22, %dot_general3A_23 {dimension_numbers = #tpu.dot_dimension_numbers<[1], [0], [0], [1], [0, 0, 1, 1], [], []>, transpose_lhs_hint = false} : vector<2000x16xf32>, vector<16x128xf32>, vector<2000x128xf32> -> vector<2000x128xf32>
    %get3A_25 = arith.constant 0 : index
    %get3A_26 = arith.constant 0 : index
    %get3A_27 = vector.load %arg5[%get3A_25, %get3A_26] : memref<1x128xf32, #tpu.memory_space<vmem>>, vector<1x128xf32>
    %add3A_28 = vector.broadcast %get3A_27 : vector<1x128xf32> to vector<2000x128xf32>
    %add3A_29 = arith.addf %dot_general3A_24, %add3A_28 : vector<2000x128xf32>
    %swap3A = arith.constant 0 : index
    %swap3A_30 = arith.constant 0 : index
    %swap3A_31 = vector.load %arg6[%swap3A, %swap3A_30] : memref<2000x128xf32, #tpu.memory_space<vmem>>, vector<2000x128xf32>
    tpu.vector_store %arg6[%swap3A, %swap3A_30], %add3A_29 {strides = array<i32>} : memref<2000x128xf32, #tpu.memory_space<vmem>>, vector<2000x128xf32>,
    return
  }
  func.func @transform_0(%arg0: i32) -> (i32, i32, i32) {
    %c0_i32 = arith.constant 0 : i32
    %c0_i32_0 = arith.constant 0 : i32
    %c0_i32_1 = arith.constant 0 : i32
    return %c0_i32, %arg0, %c0_i32_0 : i32, i32, i32
  }
  func.func @transform_1(%arg0: i32) -> (i32, i32) {
    %c0_i32 = arith.constant 0 : i32
    %c0_i32_0 = arith.constant 0 : i32
    %c0_i32_1 = arith.constant 0 : i32
    return %c0_i32, %c0_i32_0 : i32, i32
  }
  func.func @transform_2(%arg0: i32) -> (i32, i32) {
    %c0_i32 = arith.constant 0 : i32
    %c0_i32_0 = arith.constant 0 : i32
    %c0_i32_1 = arith.constant 0 : i32
    return %c0_i32, %c0_i32_0 : i32, i32
  }
  func.func @transform_3(%arg0: i32) -> (i32, i32) {
    %c0_i32 = arith.constant 0 : i32
    %c0_i32_0 = arith.constant 0 : i32
    %c0_i32_1 = arith.constant 0 : i32
    return %c0_i32, %c0_i32_0 : i32, i32
  }
  func.func @transform_4(%arg0: i32) -> (i32, i32) {
    %c0_i32 = arith.constant 0 : i32
    %c0_i32_0 = arith.constant 0 : i32
    %c0_i32_1 = arith.constant 0 : i32
    return %c0_i32, %c0_i32_0 : i32, i32
  }
  func.func @transform_5(%arg0: i32) -> (i32, i32) {
    %c0_i32 = arith.constant 0 : i32
    %c0_i32_0 = arith.constant 0 : i32
    return %arg0, %c0_i32 : i32, i32
  }
}

</mosaic_0001>

<sc_bundles>
// kernel: kernel.6.cloned.1.call-start
scs
__scs_entry_jumppad:
0x0: {  	(pc) =	sbr.rel $0x88, $3  }
0x1: {  	(tag) =	ssettag $0x0;
	lr =	simm.s32 $0x1  }
0x2: {  	[smem:$0x3F97] =	sst lr;
	_ =	strace $0xD0000000  }
0x3: {  	_ = 	snop  }
0x4: {  	_ = 	snop  }
0x5: {  	_ = 	snop  }
0x6: {  	_ = 	snop  }
0x7: {  	_ = 	snop  }
__scs_overlays_trampoline_lowered:
0x8: {  	[smem:$0x3FA6] =	sst s0  }
0x9: {  	[smem:$0x3FA7] =	sst s1  }
0xa: {  	[smem:$0x3FA8] =	sst s2  }
0xb: {  	[smem:$0x3FA9] =	sst s3  }
0xc: {  	[smem:$0x3FAA] =	sst s4  }
0xd: {  	[smem:$0x3FAB] =	sst s5  }
0xe: {  	[smem:$0x3FAC] =	sst s6  }
0xf: {  	[smem:$0x3FAD] =	sst s7  }
0x10: {  	[smem:$0x3FAE] =	sst s8  }
0x11: {  	[smem:$0x3FAF] =	sst s9;
	s0 =	simm.s32 @!p0 $0x0  }
0x12: {  	s1 =	sld [smem:$0x3F95];
	s0 =	simm.s32 @p0 $0x1  }
0x13: {  	[smem:$0x3FB0] =	sst s0;
	s0 =	simm.s32 @!p1 $0x0  }
0x14: {  	s2 =	sld [smem:$0x3F94];
	s0 =	simm.s32 @p1 $0x1  }
0x15: {  	[smem:$0x3FB1] =	sst s0;
	s0 =	simm.s32 @!p2 $0x0  }
0x16: {  	s3 =	sld [smem:$0x3FDB];
	s0 =	simm.s32 @p2 $0x1  }
0x17: {  	s4 =	simm.s32 $0x1BF5;
	[smem:$0x3FB3] =	sst s0  }
0x18: {  	s0 =	sld [smem:$0x3F96];
	_ =	swait.ge [sflag:s4], $0x0  }
0x19: {  	s7 =	sld [smem:$0x3F97]  }
0x1a: {  	s8 =	sadd.s32 $0xFFFFE003, lr  }
0x1b: {  	s9 =	sadd.s32 $0xFFFFFEF7, lr;
	s5 =	simm.s32 $0xFFFFFFFF;
	p2 =	slt.u32 s8, $0xFFFFF086  }
0x1c: {  	p1 =	slt.u32 s9, $0xF7A;
	s5 =	simm.s32 @!p2 $0x0  }
0x1d: {  	s5 =	simm.s32 @p1 $0x1;
	p0 =	seq.s32 s7, s2  }
0x1e: {  	s7 =	smul.u32 @!p0 $0xF7A, s2;
	p2 =	seq.s32 @!p0 s5, $0x0  }
0x1f: {  	s9 =	smul.u32 $0xF7A, s1;
	s8 =	simm.s32 @!p0 $0x1BF5;
	p2 =	por !p2, p0  }
0x20: {  	[sflag:s8] =	ssyncset.s32 @!p0 $0xFFFFF086;
	s6 =	sadd.s32 @!p0 s3, s7;
	s7 =	simm.s32 @!p0 $0x108  }
0x21: {  	s3 =	sadd.s32 s3, s9;
	s6 =	sadd.s32 @!p0 $0x88, s6;
	s7 =	simm.s32 @p2 $0x1082  }
0x22: {  	[simem:s7], [sflag:s8] =	dma.local @!p0 [hbm:s6], $0xF7A  }
0x23: {  	s9 =	sor.u32 $0xD0000000, s2;
	s6 =	simm.s32 $0x108;
	_ =	swait.ge @!p0 [sflag:s8], $0x0  }
0x24: {  	s3 =	sadd.s32 $0x88, s3;
	s6 =	simm.s32 @!p1 $0x1082;
	[sflag:s4] =	ssyncset.s32 $0xFFFFF086  }
0x25: {  	[simem:s6], [sflag:s4] =	dma.local [hbm:s3], $0xF7A  }
0x26: {  	[smem:$0x3F97] =	sst s1;
	(tag) =	ssettag s2;
	_ =	strace s9  }
0x27: {  	s1 =	sld [smem:$0x3FA7]  }
0x28: {  	s2 =	sld [smem:$0x3FA8]  }
0x29: {  	s4 =	sld [smem:$0x3FAA]  }
0x2a: {  	p0 =	seq.s32 s5, $0x0;
	s5 =	sld [smem:$0x3FAB]  }
0x2b: {  	s6 =	sld [smem:$0x3FAC]  }
0x2c: {  	s7 =	sld [smem:$0x3FAD]  }
0x2d: {  	s3 =	simm.s32 $0x108;
	s8 =	sld [smem:$0x3FAE]  }
0x2e: {  	s3 =	simm.s32 @!p0 $0x1082;
	s9 =	sld [smem:$0x3FAF]  }
0x2f: {  	lr =	sadd.s32 s0, s3;
	s0 =	sld [smem:$0x3FA6]  }
0x30: {  	s3 =	sld [smem:$0x3FA9]  }
0x31: {  	[smem:$0x3FB2] =	sst s10  }
0x32: {  	s10 =	sld [smem:$0x3FB0];
	_ =	sdelay $0x3  }
0x33: {  	p0 =	seq.s32 s10, $0x1;
	s10 =	sld [smem:$0x3FB2];
	_ =	sdelay $0x3  }
0x34: {  	[smem:$0x3FB2] =	sst s10  }
0x35: {  	s10 =	sld [smem:$0x3FB1];
	_ =	sdelay $0x3  }
0x36: {  	p1 =	seq.s32 s10, $0x1;
	s10 =	sld [smem:$0x3FB2];
	_ =	sdelay $0x3  }
0x37: {  	[smem:$0x3FB2] =	sst s10  }
0x38: {  	s10 =	sld [smem:$0x3FB3]  }
0x39: {  	_ = 	snop;
	(pc) =	sbr.ind lr, $3  }
0x3a: {  	_ = 	snop  }
0x3b: {  	_ = 	snop  }
0x3c: {  	p2 =	seq.s32 s10, $0x1;
	s10 =	sld [smem:$0x3FB2]  }
0x3d: {  	_ =	shalt  }
0x3e: {  	_ =	shalt  }
0x3f: {  	_ =	shalt  }
0x40: {  	_ =	shalt  }
0x41: {  	_ =	shalt  }
0x42: {  	_ =	shalt  }
0x43: {  	_ =	shalt  }
0x44: {  	_ =	shalt  }
0x45: {  	_ =	shalt  }
0x46: {  	_ =	shalt  }
0x47: {  	_ =	shalt  }
0x48: {  	_ =	shalt  }
0x49: {  	_ =	shalt  }
0x4a: {  	_ =	shalt  }
0x4b: {  	_ =	shalt  }
0x4c: {  	_ =	shalt  }
0x4d: {  	_ =	shalt  }
0x4e: {  	_ =	shalt  }
0x4f: {  	_ =	shalt  }
0x50: {  	_ =	shalt  }
0x51: {  	_ =	shalt  }
0x52: {  	_ =	shalt  }
0x53: {  	_ =	shalt  }
0x54: {  	_ =	shalt  }
0x55: {  	_ =	shalt  }
0x56: {  	_ =	shalt  }
0x57: {  	_ =	shalt  }
0x58: {  	_ =	shalt  }
0x59: {  	_ =	shalt  }
0x5a: {  	_ =	shalt  }
0x5b: {  	_ =	shalt  }
0x5c: {  	_ =	shalt  }
0x5d: {  	_ =	shalt  }
0x5e: {  	_ =	shalt  }
0x5f: {  	_ =	shalt  }
0x60: {  	_ =	shalt  }
0x61: {  	_ =	shalt  }
0x62: {  	_ =	shalt  }
0x63: {  	_ =	shalt  }
0x64: {  	_ =	shalt  }
0x65: {  	_ =	shalt  }
0x66: {  	_ =	shalt  }
0x67: {  	_ =	shalt  }
0x68: {  	_ =	shalt  }
0x69: {  	_ =	shalt  }
0x6a: {  	_ =	shalt  }
0x6b: {  	_ =	shalt  }
0x6c: {  	_ =	shalt  }
0x6d: {  	_ =	shalt  }
0x6e: {  	_ =	shalt  }
0x6f: {  	_ =	shalt  }
0x70: {  	_ =	shalt  }
0x71: {  	_ =	shalt  }
0x72: {  	_ =	shalt  }
0x73: {  	_ =	shalt  }
0x74: {  	_ =	shalt  }
0x75: {  	_ =	shalt  }
0x76: {  	_ =	shalt  }
0x77: {  	_ =	shalt  }
0x78: {  	_ =	shalt  }
0x79: {  	_ =	shalt  }
0x7a: {  	_ =	shalt  }
0x7b: {  	_ =	shalt  }
0x7c: {  	_ =	shalt  }
0x7d: {  	_ =	shalt  }
0x7e: {  	_ =	shalt  }
0x7f: {  	_ =	shalt  }
0x80: {  	_ =	shalt  }
0x81: {  	_ =	shalt  }
0x82: {  	_ =	shalt  }
0x83: {  	_ =	shalt  }
0x84: {  	_ =	shalt  }
0x85: {  	_ =	shalt  }
0x86: {  	_ =	shalt  }
0x87: {  	_ =	shalt  }
.Lfunc_end0:
.L_simem_size_0:
called_computation_lowered:
.L_overlay_start_0:
0x88: {  	s2 =	sld [smem:$0x3FD9]  }
0x89: {  	s3 =	sld [smem:$0x3FFE];
	_ =	sdelay $0x1  }
0x8a: {  	s1 =	srdreg.scid  }
0x8b: {  	s0 =	sand.u32 $0x1, s1  }
0x8c: {  	s17 =	sshll.u32 s0, $0xA;
	s2 =	sadd.s32 s3, s2  }
0x8d: {  	s2 =	sadd.s32 s2, s17  }
0x8e: {  	[smem:$0x3FBE] =	sst s2  }
0x8f: {  	_ = 	snop  }
0x90: {  	s2 =	sld [smem:$0x3FC9]  }
0x91: {  	s18 =	sld [smem:$0x3FD0];
	(tm) =	ssettm $0x1  }
0x92: {  	s4 =	sld [smem:$0x3FFB];
	_ =	sdelay $0x3  }
0x93: {  	_ =	strace s4  }
0x94: {  	s4 =	sld [smem:$0x3FFC];
	_ =	sdelay $0x3  }
0x95: {  	_ =	strace s4  }
0x96: {  	s4 =	sld [smem:$0x3FFD];
	_ =	sdelay $0x3  }
0x97: {  	_ =	strace s4  }
0x98: {  	_ =	strace $0x8FFFFFFF  }
0x99: {  	s19 =	sld [smem:$0x3FDB];
	_ =	sdelay $0x1  }
0x9a: {  	s5 =	simm.s32 $_scs_section_size  }
0x9b: {  	s6 =	simm.s32 $_size__tile_overlayer_lowered;
	s7 =	simm.s32 $_tile_overlayer_lowered  }
0x9c: {  	s22 =	simm.s32 $0x1BFF;
	s21 =	sshll.u32 s7, $0x1;
	s4 =	sadd.s32 s5, s19  }
0x9d: {  	s8 =	simm.s32 $0x0;
	s20 =	sshll.u32 s6, $0x1;
	s6 =	sadd.s32 s21, s4  }
0x9e: {  	[timem:s8], [sflag:s22] =	dma.local [hbm:s6], s20  }
0x9f: {  	_ =	swait.ge [sflag:s22], s20  }
0xa0: {  	s5 =	ssub.s32 $0x0, s20;
	[sflag:s22] =	ssyncset.done $0x0  }
0xa1: {  	[sflag:s22] =	ssyncadd.s32 s5;
	_ =	sdelay $0x1  }
0xa2: {  	s23 =	simm.s32 $0x1B8B  }
0xa3: {  	_ =	swait.ge [sflag:s23], $0x1  }
0xa4: {  	[sflag:s23] =	ssyncset.done $0x0  }
0xa5: {  	s25 =	simm.s32 $0x1B8E;
	s24 =	sld [smem:$0x3FFE];
	[sflag:s23] =	ssyncadd.s32 $0xFFFFFFFF  }
0xa6: {  	s26 =	simm.s32 $execute0_lowered;
	[smem:$0x3FD2] =	sst s25  }
0xa7: {  	s6 =	sshll.u32 s26, $0x1;
	_ =	strace $0x80000046;
	[dreg:$0x1] =	wrdreg $0xFFFFFFFF  }
0xa8: {  	s28 =	simm.s32 $_size_execute0_lowered;
	s4 =	sadd.s32 s4, s6;
	[dreg:$0x0] =	wrdreg $0x0  }
0xa9: {  	s6 =	sshll.u32 s28, $0x1;
	[dreg:$0x2] =	wrdreg s4  }
0xaa: {  	[dreg:$0x3] =	wrdreg s6  }
0xab: {  	[dreg:$0x4] =	wrdreg $0xC0  }
0xac: {  	_ =	task [dreg:s8], $0x5FFFF  }
0xad: {  	[dreg:$0x1] =	wrdreg $0xFFFFFFFF  }
0xae: {  	[dreg:$0x0] =	wrdreg $0x60  }
0xaf: {  	[dreg:$0x2] =	wrdreg s2  }
0xb0: {  	[dreg:$0x3] =	wrdreg s24  }
0xb1: {  	[dreg:$0x4] =	wrdreg s18  }
0xb2: {  	[dreg:$0x5] =	wrdreg $0xC4000  }
0xb3: {  	[dreg:$0x6] =	wrdreg $0x9  }
0xb4: {  	_ =	task.clear_ibuf [dreg:s8], $0x7FFFF;
	_ =	strace $0x90000046  }
0xb5: {  	s29 =	simm.s32 $0x9;
	_ =	strace $0x80000048  }
0xb6: {  	_ =	swait.ge [sflag:s29], $0x1  }
0xb7: {  	[sflag:s29] =	ssyncadd.s32 $0xFFFFFFFF  }
0xb8: {  	_ =	strace $0x90000048  }
0xb9: {  	_ =	sfence  }
0xba: {  	s30 =	sld [smem:$0x0];
	_ =	sdelay $0x2  }
0xbb: {  	s31 =	sshll.u32 s1, $0xD;
	s1 =	sshrl.u32 s1, $0x2  }
0xbc: {  	s3 =	sand.u32 $0x4000, s31;
	s1 =	sadd.s32 s1, s30  }
0xbd: {  	s0 =	sor.u32 s3, s0;
	s1 =	sshll.u32 s1, $0x11  }
0xbe: {  	s0 =	sor.u32 s1, s0  }
0xbf: {  	s0 =	sadd.s32 $0x8F2B, s0  }
0xc0: {  	[sflag:s0] =	ssyncadd.remote.s32 $0x1  }
0xc1: {  	_ =	sfence.sel $0xFFFF  }
0xc2: {  	[dreg:$0x0] =	wrdreg $0xFFFFFFFF;
	(pc) =	sbr.abs _section_cstart, $3  }
0xc3: {  	[dreg:$0x1] =	wrdreg $0xFFFFFFFF  }
0xc4: {  	_ =	task.clear_ibuf [dreg:s8], $0x2FFFF;
	_ =	strace $0x9FFFFFFF  }
0xc5: {  	(tm) =	ssettm $0x7FFFFFFF  }
tec
execute0_lowered:
.L_overlay_start_1:
0x0: {  	(tag) =	ssettag $0x1  }
0x1: {  	s1 =	rddreg [dreg:$0x0]  }
0x2: {  	s0 =	rddreg [dreg:$0x1]  }
0x3: {  	s12 =	rddreg [dreg:$0x2]  }
0x4: {  	s3 =	rddreg [dreg:$0x3];
	s4 =	simm.s32 $0x0;
	s5 =	srdreg.scid  }
0x5: {  	s13 =	stileid.u32;
	s28 =	simm.s32 $0x180;
	s29 =	simm.s32 $0x380  }
0x6: {  	s30 =	simm.s32 $0x1;
	s31 =	simm.s32 $0x60;
	[smem:$0x7FF] =	sst s4  }
0x7: {  	s2 =	sadd.s32 $0x1800, s0;
	s6 =	sadd.s32 $0xBA00, s0;
	s8 =	smul.u32 $0x4E000, s13  }
0x8: {  	s5 =	sand.u32 $0x1, s5;
	s0 =	sadd.s32 $0x15C00, s0;
	s11 =	smul.u32 $0x2700, s13  }
0x9: {  	s20 =	sadd.s32 $0x138000, s3;
	s25 =	smul.u32 $0x13800, s13;
	p1 =	seq.s32 s13, $0xF  }
0xa: {  	p2 =	sne.s32 s13, $0xF;
	_ =	strace $0x80000047;
	s7 =	ssub.s32 $0x2, s5  }
0xb: {  	s10 =	sshll.u32 s5, $0x4;
	[dreg:$0x9] =	wrdreg s20;
	s24 =	smul.u32 $0x138800, s5  }
0xc: {  	p0 =	sne.s32 s5, $0x0;
	s9 =	sshrl.u32 s7, $0x1;
	s18 =	sor.u32 s13, s10  }
0xd: {  	s8 =	sshrl.u32 s8, $0x2;
	s19 =	sadd.s32 s12, s11;
	s21 =	sadd.s32 s1, s11  }
0xe: {  	s11 =	simm.s32 $0x9400;
	s12 =	simm.s32 $0x6;
	s7 =	ssub.s32 s7, s9  }
0xf: {  	s8 =	sadd.s32 s8, s3;
	[dreg:$0x8] =	wrdreg s19;
	s10 =	smul.u32 $0x510, s18  }
0x10: {  	[dreg:$0xa] =	wrdreg s21;
	s9 =	smul.u32 $0x2880, s18;
	s18 =	sadd.s32 s25, s24  }
0x11: {  	s19 =	smul.u32 $0x5100, s5;
	s21 =	sshrl.u32 s24, $0x3;
	s5 =	simm.s32 $0x6400  }
0x12: {  	[dreg:$0x7] =	wrdreg s8;
	s22 =	sadd.s32 s2, s10;
	s23 =	sadd.s32 s6, s10  }
0x13: {  	s10 =	sor.u32 $0xC, s10;
	s9 =	sshrl.u32 s9, $0x3;
	[dreg:$0xb] =	wrdreg s22  }
0x14: {  	[dreg:$0xc] =	wrdreg s23;
	s26 =	sadd.s32 s2, s10;
	s14 =	sadd.s32 s6, s10  }
0x15: {  	s15 =	sadd.s32 $0x18, s9;
	s9 =	sadd.s32 $0x24, s9;
	s10 =	sshrl.u32 s18, $0x3  }
0x16: {  	s22 =	smul.u32 $0x510, s13;
	s13 =	simm.s32 $0x7;
	[dreg:$0xd] =	wrdreg s26  }
0x17: {  	[dreg:$0xe] =	wrdreg s14;
	s16 =	sadd.s32 s2, s15;
	s17 =	sadd.s32 s6, s15  }
0x18: {  	s20 =	sadd.s32 s0, s10;
	s0 =	sadd.s32 s0, s21;
	s23 =	sadd.s32 s2, s9  }
0x19: {  	s2 =	sadd.s32 s19, s2;
	s24 =	sadd.s32 s6, s9;
	[dreg:$0xf] =	wrdreg s16  }
0x1a: {  	s6 =	sadd.s32 s19, s6;
	s26 =	smax.u32 s7, $0x1;
	[dreg:$0x10] =	wrdreg s17  }
0x1b: {  	s21 =	simm.s32 $0x9;
	s7 =	simm.s32 $0x3400;
	[dreg:$0x11] =	wrdreg s20  }
0x1c: {  	s9 =	simm.s32 $0x3;
	s10 =	simm.s32 $0x4;
	[dreg:$0x12] =	wrdreg s23  }
0x1d: {  	s14 =	simm.s32 $0x8;
	s15 =	simm.s32 $0x0;
	[dreg:$0x13] =	wrdreg s24  }
0x1e: {  	s2 =	sadd.s32 s22, s2;
	s0 =	sadd.s32 $0x27000, s0;
	[dreg:$0x15] =	wrdreg s26  }
0x1f: {  	s25 =	sadd.s32 s22, s6;
	s22 =	simm.s32 $0x200;
	[dreg:$0x14] =	wrdreg s0  }
0x20: {  	s23 =	simm.s32 $0x80;
	s24 =	simm.s32 $0x280;
	[dreg:$0x5] =	wrdreg s2  }
0x21: {  	s26 =	simm.s32 $0x300;
	s6 =	simm.s32 $0x5;
	[dreg:$0x6] =	wrdreg s25  }
0x22: {  	s25 =	simm.s32 $0x100;
	s0 =	simm.s32 $0x400;
	s2 =	simm.s32 $0x2  }
.LBB2_1:
.Ltmp0:
0x23: {  	(pc) =	sbr.rel @p0 .LBB2_3-.Ltmp0, $4  }
0x24: {  	s8 =	stileid.u32  }
0x25: {  	s20 =	rddreg [dreg:$0x7];
	s16 =	sshll.u32 s8, $0x6  }
0x26: {  	s17 =	sshrl.u32 s20, $0x3;
	[dreg:$0x16] =	wrdreg s16  }
0x27: {  	s18 =	sor.u32 $0x1C09, s16;
	[dreg:$0x17] =	wrdreg s17  }
0x28: {  	s18 =	sor.u32 $0x1C09, s16;
	s8 =	rddreg [dreg:$0xa]  }
0x29: {  	[spmem:s17], [sflag:s18] =	dma.local [hbm:s8], $0x2700  }
.Ltmp1:
0x2a: {  	_ = 	snop;
	(pc) =	sbr.rel @p1 .LBB2_4-.Ltmp1, $4  }
.Ltmp2:
0x2b: {  	_ = 	snop;
	(pc) =	sbr.rel @!p1 .LBB2_5-.Ltmp2, $4  }
0x2c: {  	_ =	swait.ge [sflag:s21], $0x2700  }
0x2d: {  	[sflag:s21] =	ssyncset.done $0x0  }
0x2e: {  	s19 =	smov.u32 s1;
	[sflag:s21] =	ssyncadd.s32 $0xFFFFD900  }
0x2f: {  	_ = 	snop  }
.LBB2_3:
0x30: {  	s8 =	rddreg [dreg:$0x8]  }
0x31: {  	[spmem:s17], [sflag:s18] =	dma.local [hbm:s8], $0x2700  }
.Ltmp3:
0x32: {  	_ = 	snop;
	(pc) =	sbr.rel @p2 .LBB2_5-.Ltmp3, $4  }
0x33: {  	_ =	swait.ge [sflag:s21], $0x2700  }
0x34: {  	[sflag:s21] =	ssyncset.done $0x0  }
0x35: {  	[sflag:s21] =	ssyncadd.s32 $0xFFFFD900  }
0x36: {  	s19 =	rddreg [dreg:$0x2]  }
.LBB2_4:
0x37: {  	s8 =	rddreg [dreg:$0x9]  }
0x38: {  	s19 =	sadd.s32 $0x27000, s19;
	s20 =	sshrl.u32 s8, $0x3  }
0x39: {  	[spmem:s20], [sflag:s18] =	dma.local [hbm:s19], $0x100  }
0x3a: {  	_ =	swait.ge [sflag:s21], $0x100  }
0x3b: {  	[sflag:s21] =	ssyncset.done $0x0  }
0x3c: {  	[sflag:s21] =	ssyncadd.s32 $0xFFFFFF00  }
.LBB2_5:
0x3d: {  	s18 =	simm.s32 $0x0;
	s8 =	rddreg [dreg:$0xb]  }
0x3e: {  	[tilespmem:s18], [sflag:$0x1] =	stream.linear.gather [hbm4b:s8+s18], $0x60, $0x38;
	[tilespmem:$0x1FF80] =	vst v63  }
0x3f: {  	s17 =	rddreg [dreg:$0xc]  }
0x40: {  	[tilespmem:s22], [sflag:$0x1] =	stream.linear.gather [hbm4b:s17+s18], $0x60, $0x38;
	[tilespmem:$0x1FF80] =	vst v63  }
0x41: {  	s19 =	rddreg [dreg:$0xd]  }
0x42: {  	[tilespmem:s23], [sflag:$0x2] =	stream.linear.gather [hbm4b:s19+s18], $0x60, $0x38;
	[tilespmem:$0x1FF80] =	vst v63  }
0x43: {  	s20 =	rddreg [dreg:$0xe]  }
0x44: {  	[tilespmem:s24], [sflag:$0x2] =	stream.linear.gather [hbm4b:s20+s18], $0x60, $0x38;
	[tilespmem:$0x1FF80] =	vst v63  }
0x45: {  	s16 =	rddreg [dreg:$0xf]  }
0x46: {  	[tilespmem:s25], [sflag:$0x3] =	stream.linear.gather [hbm4b:s16+s18], $0x60, $0x38;
	[tilespmem:$0x1FF80] =	vst v63  }
0x47: {  	s17 =	rddreg [dreg:$0x10]  }
0x48: {  	[tilespmem:s26], [sflag:$0x3] =	stream.linear.gather [hbm4b:s17+s18], $0x60, $0x38;
	[tilespmem:$0x1FF80] =	vst v63  }
0x49: {  	s19 =	rddreg [dreg:$0x12]  }
0x4a: {  	[tilespmem:s28], [sflag:$0x4] =	stream.linear.gather [hbm4b:s19+s18], $0x60, $0x38;
	[tilespmem:$0x1FF80] =	vst v63  }
0x4b: {  	s20 =	rddreg [dreg:$0x13]  }
0x4c: {  	[tilespmem:s29], [sflag:$0x4] =	stream.linear.gather [hbm4b:s20+s18], $0x60, $0x38;
	[tilespmem:$0x1FF80] =	vst v63  }
0x4d: {  	_ =	swait.ge [sflag:s30], $0x60  }
0x4e: {  	[sflag:s30] =	ssyncset.done $0x0  }
0x4f: {  	[sflag:s30] =	ssyncadd.s32 $0xFFFFFFA0  }
0x50: {  	_ =	swait.ge [sflag:s30], $0x60  }
0x51: {  	[sflag:s30] =	ssyncset.done $0x0  }
0x52: {  	[sflag:s30] =	ssyncadd.s32 $0xFFFFFFA0  }
0x53: {  	[tilespmem:s0], [sflag:$0x5] =	stream.indirect.gather [hbm4b:s1+s31], $0x80, s18, s31, $0xb8;
	[tilespmem:$0x1FF80] =	vst v63  }
0x54: {  	_ =	swait.ge [sflag:s2], $0x60  }
0x55: {  	[sflag:s2] =	ssyncset.done $0x0  }
0x56: {  	[sflag:s2] =	ssyncadd.s32 $0xFFFFFFA0  }
0x57: {  	_ =	swait.ge [sflag:s2], $0x60  }
0x58: {  	[sflag:s2] =	ssyncset.done $0x0  }
0x59: {  	[sflag:s2] =	ssyncadd.s32 $0xFFFFFFA0  }
0x5a: {  	[tilespmem:s7], [sflag:$0x6] =	stream.indirect.gather [hbm4b:s1+s31], $0x80, s23, s31, $0xb8;
	[tilespmem:$0x1FF80] =	vst v63  }
0x5b: {  	_ =	swait.ge [sflag:s9], $0x60  }
0x5c: {  	[sflag:s9] =	ssyncset.done $0x0  }
0x5d: {  	[sflag:s9] =	ssyncadd.s32 $0xFFFFFFA0  }
0x5e: {  	_ =	swait.ge [sflag:s9], $0x60  }
0x5f: {  	[sflag:s9] =	ssyncset.done $0x0  }
0x60: {  	[sflag:s9] =	ssyncadd.s32 $0xFFFFFFA0  }
0x61: {  	[tilespmem:s5], [sflag:$0x7] =	stream.indirect.gather [hbm4b:s1+s31], $0x80, s25, s31, $0xb8;
	[tilespmem:$0x1FF80] =	vst v63  }
0x62: {  	[bflag:$0x0] =	sbarrier.arrive $0xFFFF  }
0x63: {  	_ =	swait.ge [sflag:s6], $0x3000  }
0x64: {  	[sflag:s6] =	ssyncset.done $0x0  }
0x65: {  	[sflag:s6] =	ssyncadd.s32 $0xFFFFD000  }
0x66: {  	[spmem:s3] =	stream.indirect.scatter.add.f32 [tilespmem:s0], [sflag:$0x9], $0x80, s22, s31, $0xb8;
	[tilespmem:$0x1FF80] =	vst v63  }
0x67: {  	_ =	swait.ge [sflag:s21], $0x3000  }
0x68: {  	[sflag:s21] =	ssyncset.done $0x0  }
0x69: {  	[sflag:s21] =	ssyncadd.s32 $0xFFFFD000  }
0x6a: {  	_ =	swait.ge [sflag:s10], $0x60  }
0x6b: {  	[sflag:s10] =	ssyncset.done $0x0  }
0x6c: {  	[sflag:s10] =	ssyncadd.s32 $0xFFFFFFA0  }
0x6d: {  	_ =	swait.ge [sflag:s10], $0x60  }
0x6e: {  	[sflag:s10] =	ssyncset.done $0x0;
	s8 =	rddreg [dreg:$0x5]  }
0x6f: {  	s19 =	rddreg [dreg:$0x6];
	[sflag:s10] =	ssyncadd.s32 $0xFFFFFFA0;
	s18 =	sadd.s32 $0x0, s8  }
0x70: {  	[tilespmem:s11], [sflag:$0x8] =	stream.indirect.gather [hbm4b:s1+s31], $0x80, s28, s31, $0xb8;
	[tilespmem:$0x1FF80] =	vst v63  }
0x71: {  	s19 =	sadd.s32 $0x0, s19;
	s20 =	sadd.s32 $0x30, s18  }
0x72: {  	[tilespmem:s4], [sflag:$0x1] =	stream.linear.gather [hbm4b:s20+s4], $0x60, $0x38;
	[tilespmem:$0x1FF80] =	vst v63  }
0x73: {  	s16 =	sadd.s32 $0x30, s19  }
0x74: {  	[tilespmem:s22], [sflag:$0x1] =	stream.linear.gather [hbm4b:s16+s4], $0x60, $0x38;
	[tilespmem:$0x1FF80] =	vst v63  }
0x75: {  	_ =	swait.ge [sflag:s12], $0x3000  }
0x76: {  	[sflag:s12] =	ssyncset.done $0x0  }
0x77: {  	[sflag:s12] =	ssyncadd.s32 $0xFFFFD000  }
0x78: {  	[spmem:s3] =	stream.indirect.scatter.add.f32 [tilespmem:s7], [sflag:$0x9], $0x80, s24, s31, $0xb8;
	[tilespmem:$0x1FF80] =	vst v63  }
0x79: {  	_ =	swait.ge [sflag:s21], $0x3000  }
0x7a: {  	[sflag:s21] =	ssyncset.done $0x0  }
0x7b: {  	[sflag:s21] =	ssyncadd.s32 $0xFFFFD000  }
0x7c: {  	_ =	swait.ge [sflag:s30], $0x60  }
0x7d: {  	[sflag:s30] =	ssyncset.done $0x0  }
0x7e: {  	[sflag:s30] =	ssyncadd.s32 $0xFFFFFFA0  }
0x7f: {  	_ =	swait.ge [sflag:s30], $0x60  }
0x80: {  	[sflag:s30] =	ssyncset.done $0x0  }
0x81: {  	[sflag:s30] =	ssyncadd.s32 $0xFFFFFFA0  }
0x82: {  	[tilespmem:s0], [sflag:$0x5] =	stream.indirect.gather [hbm4b:s1+s31], $0x80, s4, s31, $0xb8;
	[tilespmem:$0x1FF80] =	vst v63  }
0x83: {  	s17 =	sadd.s32 $0x3C, s18  }
0x84: {  	[tilespmem:s23], [sflag:$0x2] =	stream.linear.gather [hbm4b:s17+s4], $0x60, $0x38;
	[tilespmem:$0x1FF80] =	vst v63  }
0x85: {  	s8 =	sadd.s32 $0x3C, s19  }
0x86: {  	[tilespmem:s24], [sflag:$0x2] =	stream.linear.gather [hbm4b:s8+s4], $0x60, $0x38;
	[tilespmem:$0x1FF80] =	vst v63  }
0x87: {  	_ =	swait.ge [sflag:s13], $0x3000  }
0x88: {  	[sflag:s13] =	ssyncset.done $0x0  }
0x89: {  	[sflag:s13] =	ssyncadd.s32 $0xFFFFD000  }
0x8a: {  	[spmem:s3] =	stream.indirect.scatter.add.f32 [tilespmem:s5], [sflag:$0x9], $0x80, s26, s31, $0xb8;
	[tilespmem:$0x1FF80] =	vst v63  }
0x8b: {  	_ =	swait.ge [sflag:s21], $0x3000  }
0x8c: {  	[sflag:s21] =	ssyncset.done $0x0  }
0x8d: {  	[sflag:s21] =	ssyncadd.s32 $0xFFFFD000  }
0x8e: {  	_ =	swait.ge [sflag:s2], $0x60  }
0x8f: {  	[sflag:s2] =	ssyncset.done $0x0  }
0x90: {  	[sflag:s2] =	ssyncadd.s32 $0xFFFFFFA0  }
0x91: {  	_ =	swait.ge [sflag:s2], $0x60  }
0x92: {  	[sflag:s2] =	ssyncset.done $0x0  }
0x93: {  	[sflag:s2] =	ssyncadd.s32 $0xFFFFFFA0  }
0x94: {  	[tilespmem:s7], [sflag:$0x6] =	stream.indirect.gather [hbm4b:s1+s31], $0x80, s23, s31, $0xb8;
	[tilespmem:$0x1FF80] =	vst v63  }
0x95: {  	s16 =	sadd.s32 $0x48, s18  }
0x96: {  	[tilespmem:s25], [sflag:$0x3] =	stream.linear.gather [hbm4b:s16+s4], $0x60, $0x38;
	[tilespmem:$0x1FF80] =	vst v63  }
0x97: {  	s17 =	sadd.s32 $0x48, s19  }
0x98: {  	[tilespmem:s26], [sflag:$0x3] =	stream.linear.gather [hbm4b:s17+s4], $0x60, $0x38;
	[tilespmem:$0x1FF80] =	vst v63  }
0x99: {  	_ =	swait.ge [sflag:s14], $0x3000  }
0x9a: {  	[sflag:s14] =	ssyncset.done $0x0  }
0x9b: {  	[sflag:s14] =	ssyncadd.s32 $0xFFFFD000  }
0x9c: {  	[spmem:s3] =	stream.indirect.scatter.add.f32 [tilespmem:s11], [sflag:$0x9], $0x80, s29, s31, $0xb8;
	[tilespmem:$0x1FF80] =	vst v63  }
0x9d: {  	_ =	swait.ge [sflag:s21], $0x3000  }
0x9e: {  	[sflag:s21] =	ssyncset.done $0x0  }
0x9f: {  	[sflag:s21] =	ssyncadd.s32 $0xFFFFD000  }
0xa0: {  	_ =	swait.ge [sflag:s9], $0x60  }
0xa1: {  	[sflag:s9] =	ssyncset.done $0x0  }
0xa2: {  	[sflag:s9] =	ssyncadd.s32 $0xFFFFFFA0  }
0xa3: {  	_ =	swait.ge [sflag:s9], $0x60  }
0xa4: {  	[sflag:s9] =	ssyncset.done $0x0  }
0xa5: {  	[sflag:s9] =	ssyncadd.s32 $0xFFFFFFA0  }
0xa6: {  	[tilespmem:s5], [sflag:$0x7] =	stream.indirect.gather [hbm4b:s1+s31], $0x80, s25, s31, $0xb8;
	[tilespmem:$0x1FF80] =	vst v63  }
0xa7: {  	s18 =	sadd.s32 $0x54, s18  }
0xa8: {  	[tilespmem:s28], [sflag:$0x4] =	stream.linear.gather [hbm4b:s18+s4], $0x60, $0x38;
	[tilespmem:$0x1FF80] =	vst v63  }
0xa9: {  	s19 =	sadd.s32 $0x54, s19;
	s18 =	simm.s32 $0x30  }
.LBB2_6:
0xaa: {  	[tilespmem:s29], [sflag:$0x4] =	stream.linear.gather [hbm4b:s19+s4], $0x60, $0x38;
	[tilespmem:$0x1FF80] =	vst v63  }
0xab: {  	_ =	swait.ge [sflag:s6], $0x3000  }
0xac: {  	[sflag:s6] =	ssyncset.done $0x0  }
0xad: {  	[sflag:s6] =	ssyncadd.s32 $0xFFFFD000  }
0xae: {  	[spmem:s3] =	stream.indirect.scatter.add.f32 [tilespmem:s0], [sflag:$0x9], $0x80, s22, s31, $0xb8;
	[tilespmem:$0x1FF80] =	vst v63  }
0xaf: {  	_ =	swait.ge [sflag:s21], $0x3000  }
0xb0: {  	[sflag:s21] =	ssyncset.done $0x0  }
0xb1: {  	[sflag:s21] =	ssyncadd.s32 $0xFFFFD000  }
0xb2: {  	_ =	swait.ge [sflag:s10], $0x60  }
0xb3: {  	[sflag:s10] =	ssyncset.done $0x0  }
0xb4: {  	[sflag:s10] =	ssyncadd.s32 $0xFFFFFFA0  }
0xb5: {  	_ =	swait.ge [sflag:s10], $0x60  }
0xb6: {  	s8 =	smov.u32 s18;
	[sflag:s10] =	ssyncset.done $0x0;
	s20 =	rddreg [dreg:$0x5]  }
0xb7: {  	s17 =	rddreg [dreg:$0x6];
	[sflag:s10] =	ssyncadd.s32 $0xFFFFFFA0;
	s20 =	sadd.s32 s8, s20  }
0xb8: {  	[tilespmem:s11], [sflag:$0x8] =	stream.indirect.gather [hbm4b:s1+s31], $0x80, s28, s31, $0xb8;
	[tilespmem:$0x1FF80] =	vst v63  }
0xb9: {  	s19 =	sadd.s32 s8, s17;
	s16 =	sadd.s32 $0x30, s20  }
0xba: {  	[tilespmem:s4], [sflag:$0x1] =	stream.linear.gather [hbm4b:s16+s4], $0x60, $0x38;
	[tilespmem:$0x1FF80] =	vst v63  }
0xbb: {  	s8 =	sadd.s32 $0x30, s19  }
0xbc: {  	[tilespmem:s22], [sflag:$0x1] =	stream.linear.gather [hbm4b:s8+s4], $0x60, $0x38;
	[tilespmem:$0x1FF80] =	vst v63  }
0xbd: {  	_ =	swait.ge [sflag:s12], $0x3000  }
0xbe: {  	[sflag:s12] =	ssyncset.done $0x0  }
0xbf: {  	[sflag:s12] =	ssyncadd.s32 $0xFFFFD000  }
0xc0: {  	[spmem:s3] =	stream.indirect.scatter.add.f32 [tilespmem:s7], [sflag:$0x9], $0x80, s24, s31, $0xb8;
	[tilespmem:$0x1FF80] =	vst v63  }
0xc1: {  	_ =	swait.ge [sflag:s21], $0x3000  }
0xc2: {  	[sflag:s21] =	ssyncset.done $0x0  }
0xc3: {  	[sflag:s21] =	ssyncadd.s32 $0xFFFFD000  }
0xc4: {  	_ =	swait.ge [sflag:s30], $0x60  }
0xc5: {  	[sflag:s30] =	ssyncset.done $0x0  }
0xc6: {  	[sflag:s30] =	ssyncadd.s32 $0xFFFFFFA0  }
0xc7: {  	_ =	swait.ge [sflag:s30], $0x60  }
0xc8: {  	[sflag:s30] =	ssyncset.done $0x0  }
0xc9: {  	[sflag:s30] =	ssyncadd.s32 $0xFFFFFFA0  }
0xca: {  	[tilespmem:s0], [sflag:$0x5] =	stream.indirect.gather [hbm4b:s1+s31], $0x80, s4, s31, $0xb8;
	[tilespmem:$0x1FF80] =	vst v63  }
0xcb: {  	s16 =	sadd.s32 $0x3C, s20  }
0xcc: {  	[tilespmem:s23], [sflag:$0x2] =	stream.linear.gather [hbm4b:s16+s4], $0x60, $0x38;
	[tilespmem:$0x1FF80] =	vst v63  }
0xcd: {  	s17 =	sadd.s32 $0x3C, s19  }
0xce: {  	[tilespmem:s24], [sflag:$0x2] =	stream.linear.gather [hbm4b:s17+s4], $0x60, $0x38;
	[tilespmem:$0x1FF80] =	vst v63  }
0xcf: {  	_ =	swait.ge [sflag:s13], $0x3000  }
0xd0: {  	[sflag:s13] =	ssyncset.done $0x0  }
0xd1: {  	[sflag:s13] =	ssyncadd.s32 $0xFFFFD000  }
0xd2: {  	[spmem:s3] =	stream.indirect.scatter.add.f32 [tilespmem:s5], [sflag:$0x9], $0x80, s26, s31, $0xb8;
	[tilespmem:$0x1FF80] =	vst v63  }
0xd3: {  	_ =	swait.ge [sflag:s21], $0x3000  }
0xd4: {  	[sflag:s21] =	ssyncset.done $0x0  }
0xd5: {  	[sflag:s21] =	ssyncadd.s32 $0xFFFFD000  }
0xd6: {  	_ =	swait.ge [sflag:s2], $0x60  }
0xd7: {  	[sflag:s2] =	ssyncset.done $0x0  }
0xd8: {  	[sflag:s2] =	ssyncadd.s32 $0xFFFFFFA0  }
0xd9: {  	_ =	swait.ge [sflag:s2], $0x60  }
0xda: {  	[sflag:s2] =	ssyncset.done $0x0  }
0xdb: {  	[sflag:s2] =	ssyncadd.s32 $0xFFFFFFA0  }
0xdc: {  	[tilespmem:s7], [sflag:$0x6] =	stream.indirect.gather [hbm4b:s1+s31], $0x80, s23, s31, $0xb8;
	[tilespmem:$0x1FF80] =	vst v63  }
0xdd: {  	s16 =	sadd.s32 $0x48, s20  }
0xde: {  	[tilespmem:s25], [sflag:$0x3] =	stream.linear.gather [hbm4b:s16+s4], $0x60, $0x38;
	[tilespmem:$0x1FF80] =	vst v63  }
0xdf: {  	s17 =	sadd.s32 $0x48, s19  }
0xe0: {  	[tilespmem:s26], [sflag:$0x3] =	stream.linear.gather [hbm4b:s17+s4], $0x60, $0x38;
	[tilespmem:$0x1FF80] =	vst v63  }
0xe1: {  	_ =	swait.ge [sflag:s14], $0x3000  }
0xe2: {  	[sflag:s14] =	ssyncset.done $0x0  }
0xe3: {  	[sflag:s14] =	ssyncadd.s32 $0xFFFFD000  }
0xe4: {  	[spmem:s3] =	stream.indirect.scatter.add.f32 [tilespmem:s11], [sflag:$0x9], $0x80, s29, s31, $0xb8;
	[tilespmem:$0x1FF80] =	vst v63  }
0xe5: {  	_ =	swait.ge [sflag:s21], $0x3000  }
0xe6: {  	[sflag:s21] =	ssyncset.done $0x0  }
0xe7: {  	[sflag:s21] =	ssyncadd.s32 $0xFFFFD000  }
0xe8: {  	_ =	swait.ge [sflag:s9], $0x60  }
0xe9: {  	[sflag:s9] =	ssyncset.done $0x0  }
0xea: {  	[sflag:s9] =	ssyncadd.s32 $0xFFFFFFA0  }
0xeb: {  	p3 =	sne.s32 s18, $0x4B0;
	_ =	swait.ge [sflag:s9], $0x60  }
.Ltmp4:
0xec: {  	[sflag:s9] =	ssyncset.done $0x0;
	(pc) =	sbr.rel @p3 .LBB2_6-.Ltmp4, $4  }
0xed: {  	[sflag:s9] =	ssyncadd.s32 $0xFFFFFFA0  }
0xee: {  	[tilespmem:s5], [sflag:$0x7] =	stream.indirect.gather [hbm4b:s1+s31], $0x80, s25, s31, $0xb8;
	[tilespmem:$0x1FF80] =	vst v63  }
0xef: {  	s18 =	sadd.s32 $0x30, s18;
	s20 =	sadd.s32 $0x54, s20;
	s19 =	sadd.s32 $0x54, s19  }
0xf0: {  	[tilespmem:s28], [sflag:$0x4] =	stream.linear.gather [hbm4b:s20+s4], $0x60, $0x38;
	[tilespmem:$0x1FF80] =	vst v63  }
0xf1: {  	[tilespmem:s29], [sflag:$0x4] =	stream.linear.gather [hbm4b:s19+s4], $0x60, $0x38;
	[tilespmem:$0x1FF80] =	vst v63  }
0xf2: {  	_ =	swait.ge [sflag:s6], $0x3000  }
0xf3: {  	[sflag:s6] =	ssyncset.done $0x0  }
0xf4: {  	[sflag:s6] =	ssyncadd.s32 $0xFFFFD000  }
0xf5: {  	[spmem:s3] =	stream.indirect.scatter.add.f32 [tilespmem:s0], [sflag:$0x9], $0x80, s22, s31, $0xb8;
	[tilespmem:$0x1FF80] =	vst v63  }
0xf6: {  	_ =	swait.ge [sflag:s21], $0x3000  }
0xf7: {  	[sflag:s21] =	ssyncset.done $0x0  }
0xf8: {  	[sflag:s21] =	ssyncadd.s32 $0xFFFFD000  }
0xf9: {  	_ =	swait.ge [sflag:s10], $0x60  }
0xfa: {  	[sflag:s10] =	ssyncset.done $0x0  }
0xfb: {  	[sflag:s10] =	ssyncadd.s32 $0xFFFFFFA0  }
0xfc: {  	_ =	swait.ge [sflag:s10], $0x60  }
0xfd: {  	[sflag:s10] =	ssyncset.done $0x0  }
0xfe: {  	[sflag:s10] =	ssyncadd.s32 $0xFFFFFFA0  }
0xff: {  	[tilespmem:s11], [sflag:$0x8] =	stream.indirect.gather [hbm4b:s1+s31], $0x80, s28, s31, $0xb8;
	[tilespmem:$0x1FF80] =	vst v63  }
0x100: {  	_ =	swait.ge [sflag:s12], $0x3000  }
0x101: {  	[sflag:s12] =	ssyncset.done $0x0  }
0x102: {  	[sflag:s12] =	ssyncadd.s32 $0xFFFFD000  }
0x103: {  	[spmem:s3] =	stream.indirect.scatter.add.f32 [tilespmem:s7], [sflag:$0x9], $0x80, s24, s31, $0xb8;
	[tilespmem:$0x1FF80] =	vst v63  }
0x104: {  	_ =	swait.ge [sflag:s21], $0x3000  }
0x105: {  	[sflag:s21] =	ssyncset.done $0x0  }
0x106: {  	[sflag:s21] =	ssyncadd.s32 $0xFFFFD000  }
0x107: {  	_ =	swait.ge [sflag:s13], $0x3000  }
0x108: {  	[sflag:s13] =	ssyncset.done $0x0  }
0x109: {  	[sflag:s13] =	ssyncadd.s32 $0xFFFFD000  }
0x10a: {  	[spmem:s3] =	stream.indirect.scatter.add.f32 [tilespmem:s5], [sflag:$0x9], $0x80, s26, s31, $0xb8;
	[tilespmem:$0x1FF80] =	vst v63  }
0x10b: {  	_ =	swait.ge [sflag:s21], $0x3000  }
0x10c: {  	[sflag:s21] =	ssyncset.done $0x0  }
0x10d: {  	[sflag:s21] =	ssyncadd.s32 $0xFFFFD000  }
0x10e: {  	_ =	swait.ge [sflag:s14], $0x3000  }
0x10f: {  	[sflag:s14] =	ssyncset.done $0x0  }
0x110: {  	[sflag:s14] =	ssyncadd.s32 $0xFFFFD000  }
0x111: {  	[spmem:s3] =	stream.indirect.scatter.add.f32 [tilespmem:s11], [sflag:$0x9], $0x80, s29, s31, $0xb8;
	[tilespmem:$0x1FF80] =	vst v63  }
0x112: {  	_ =	swait.ge [sflag:s21], $0x3000  }
0x113: {  	[sflag:s21] =	ssyncset.done $0x0  }
0x114: {  	[sflag:s21] =	ssyncadd.s32 $0xFFFFD000  }
0x115: {  	[bflag:$0x0] =	sbarrier.arrive $0xFFFF  }
0x116: {  	s8 =	rddreg [dreg:$0x16]  }
0x117: {  	s16 =	rddreg [dreg:$0x11]  }
0x118: {  	s17 =	rddreg [dreg:$0x17];
	s8 =	sor.u32 $0x1C09, s8  }
0x119: {  	[hbm:s16], [sflag:s8] =	dma.local [spmem:s17], $0x2700  }
0x11a: {  	_ =	swait.ge [sflag:s21], $0x2700  }
0x11b: {  	[sflag:s21] =	ssyncset.done $0x0;
	s16 =	rddreg [dreg:$0x9]  }
0x11c: {  	s17 =	rddreg [dreg:$0x14];
	[sflag:s21] =	ssyncadd.s32 $0xFFFFD900;
	s16 =	sshrl.u32 @!p2 s16, $0x3  }
0x11d: {  	[hbm:s17], [sflag:s8] =	dma.local @!p2 [spmem:s16], $0x100  }
0x11e: {  	s8 =	simm.s32 @!p2 $0x9  }
0x11f: {  	_ =	swait.ge @!p2 [sflag:s8], $0x100  }
0x120: {  	s15 =	sadd.s32 $0x1, s15;
	s20 =	rddreg [dreg:$0x15]  }
0x121: {  	p3 =	sne.s32 s15, s20  }
.Ltmp5:
0x122: {  	_ = 	snop;
	(pc) =	sbr.rel @p3 .LBB2_1-.Ltmp5, $3  }
0x123: {  	_ =	sdelay $0x1  }
0x124: {  	[sflag:s8] =	ssyncset.done @!p2 $0x0  }
0x125: {  	[sflag:s8] =	ssyncadd.s32 @!p2 $0xFFFFFF00  }
0x126: {  	_ =	sfence.sel $0x180000  }
0x127: {  	[bflag:$0x0] =	sbarrier.arrive $0xFFFF  }
0x128: {  	_ =	strace $0x90000047  }
0x129: {  	s0 =	stileid.u32;
	[bflag:$0x2] =	sbarrier.arrive $0xFFFF  }
0x12a: {  	p0 =	sne.s32 s0, $0x0;
	s0 =	rddreg [dreg:$0x4]  }
0x12b: {  	s0 =	sadd.s32 @!p0 $0x100000, s0  }
0x12c: {  	[sflag:s0] =	ssyncadd.tile.s32 @!p0 $0x1;
	_ =	shalt  }
.Lfunc_end2:
_tile_overlayer_lowered:
.L_overlay_start_2:
0x12d: {  	(tag) =	ssettag $0x2  }
0x12e: {  	s0 =	rddreg [dreg:$0x0];
	s2 =	stileid.u32  }
0x12f: {  	s1 =	rddreg [dreg:$0x1];
	p0 =	sne.s32 s2, $0x0  }
0x130: {  	s3 =	rddreg [dreg:$0x2];
	[bflag:$0x3] =	sbarrier.arrive $0xFFFF;
	s2 =	simm.s32 @!p0 $0x1C09  }
0x131: {  	[timem:s3], [sflag:s2] =	dma.local @!p0 [hbm:s0], s1  }
0x132: {  	s0 =	simm.s32 @!p0 $0x9  }
0x133: {  	_ =	swait.ge @!p0 [sflag:s0], s1  }
0x134: {  	s1 =	ssub.s32 @!p0 $0x0, s1;
	[sflag:s0] =	ssyncset.done @!p0 $0x0  }
0x135: {  	[sflag:s0] =	ssyncadd.s32 @!p0 s1  }
0x136: {  	[bflag:$0x3] =	sbarrier.arrive $0xFFFF  }
0x137: {  	_ =	shalt  }

// kernel: kernel.9.cloned.1.call-start
scs
__scs_entry_jumppad:
0x0: {  	(pc) =	sbr.rel $0x88, $3  }
0x1: {  	(tag) =	ssettag $0x0;
	lr =	simm.s32 $0x1  }
0x2: {  	[smem:$0x3F97] =	sst lr;
	_ =	strace $0xD0000000  }
0x3: {  	_ = 	snop  }
0x4: {  	_ = 	snop  }
0x5: {  	_ = 	snop  }
0x6: {  	_ = 	snop  }
0x7: {  	_ = 	snop  }
__scs_overlays_trampoline_lowered:
0x8: {  	[smem:$0x3FA6] =	sst s0  }
0x9: {  	[smem:$0x3FA7] =	sst s1  }
0xa: {  	[smem:$0x3FA8] =	sst s2  }
0xb: {  	[smem:$0x3FA9] =	sst s3  }
0xc: {  	[smem:$0x3FAA] =	sst s4  }
0xd: {  	[smem:$0x3FAB] =	sst s5  }
0xe: {  	[smem:$0x3FAC] =	sst s6  }
0xf: {  	[smem:$0x3FAD] =	sst s7  }
0x10: {  	[smem:$0x3FAE] =	sst s8  }
0x11: {  	[smem:$0x3FAF] =	sst s9;
	s0 =	simm.s32 @!p0 $0x0  }
0x12: {  	s1 =	sld [smem:$0x3F95];
	s0 =	simm.s32 @p0 $0x1  }
0x13: {  	[smem:$0x3FB0] =	sst s0;
	s0 =	simm.s32 @!p1 $0x0  }
0x14: {  	s2 =	sld [smem:$0x3F94];
	s0 =	simm.s32 @p1 $0x1  }
0x15: {  	[smem:$0x3FB1] =	sst s0;
	s0 =	simm.s32 @!p2 $0x0  }
0x16: {  	s3 =	sld [smem:$0x3FDB];
	s0 =	simm.s32 @p2 $0x1  }
0x17: {  	s4 =	simm.s32 $0x1BF5;
	[smem:$0x3FB3] =	sst s0  }
0x18: {  	s0 =	sld [smem:$0x3F96];
	_ =	swait.ge [sflag:s4], $0x0  }
0x19: {  	s7 =	sld [smem:$0x3F97]  }
0x1a: {  	s8 =	sadd.s32 $0xFFFFE003, lr  }
0x1b: {  	s9 =	sadd.s32 $0xFFFFFEF7, lr;
	s5 =	simm.s32 $0xFFFFFFFF;
	p2 =	slt.u32 s8, $0xFFFFF086  }
0x1c: {  	p1 =	slt.u32 s9, $0xF7A;
	s5 =	simm.s32 @!p2 $0x0  }
0x1d: {  	s5 =	simm.s32 @p1 $0x1;
	p0 =	seq.s32 s7, s2  }
0x1e: {  	s7 =	smul.u32 @!p0 $0xF7A, s2;
	p2 =	seq.s32 @!p0 s5, $0x0  }
0x1f: {  	s9 =	smul.u32 $0xF7A, s1;
	s8 =	simm.s32 @!p0 $0x1BF5;
	p2 =	por !p2, p0  }
0x20: {  	[sflag:s8] =	ssyncset.s32 @!p0 $0xFFFFF086;
	s6 =	sadd.s32 @!p0 s3, s7;
	s7 =	simm.s32 @!p0 $0x108  }
0x21: {  	s3 =	sadd.s32 s3, s9;
	s6 =	sadd.s32 @!p0 $0x88, s6;
	s7 =	simm.s32 @p2 $0x1082  }
0x22: {  	[simem:s7], [sflag:s8] =	dma.local @!p0 [hbm:s6], $0xF7A  }
0x23: {  	s9 =	sor.u32 $0xD0000000, s2;
	s6 =	simm.s32 $0x108;
	_ =	swait.ge @!p0 [sflag:s8], $0x0  }
0x24: {  	s3 =	sadd.s32 $0x88, s3;
	s6 =	simm.s32 @!p1 $0x1082;
	[sflag:s4] =	ssyncset.s32 $0xFFFFF086  }
0x25: {  	[simem:s6], [sflag:s4] =	dma.local [hbm:s3], $0xF7A  }
0x26: {  	[smem:$0x3F97] =	sst s1;
	(tag) =	ssettag s2;
	_ =	strace s9  }
0x27: {  	s1 =	sld [smem:$0x3FA7]  }
0x28: {  	s2 =	sld [smem:$0x3FA8]  }
0x29: {  	s4 =	sld [smem:$0x3FAA]  }
0x2a: {  	p0 =	seq.s32 s5, $0x0;
	s5 =	sld [smem:$0x3FAB]  }
0x2b: {  	s6 =	sld [smem:$0x3FAC]  }
0x2c: {  	s7 =	sld [smem:$0x3FAD]  }
0x2d: {  	s3 =	simm.s32 $0x108;
	s8 =	sld [smem:$0x3FAE]  }
0x2e: {  	s3 =	simm.s32 @!p0 $0x1082;
	s9 =	sld [smem:$0x3FAF]  }
0x2f: {  	lr =	sadd.s32 s0, s3;
	s0 =	sld [smem:$0x3FA6]  }
0x30: {  	s3 =	sld [smem:$0x3FA9]  }
0x31: {  	[smem:$0x3FB2] =	sst s10  }
0x32: {  	s10 =	sld [smem:$0x3FB0];
	_ =	sdelay $0x3  }
0x33: {  	p0 =	seq.s32 s10, $0x1;
	s10 =	sld [smem:$0x3FB2];
	_ =	sdelay $0x3  }
0x34: {  	[smem:$0x3FB2] =	sst s10  }
0x35: {  	s10 =	sld [smem:$0x3FB1];
	_ =	sdelay $0x3  }
0x36: {  	p1 =	seq.s32 s10, $0x1;
	s10 =	sld [smem:$0x3FB2];
	_ =	sdelay $0x3  }
0x37: {  	[smem:$0x3FB2] =	sst s10  }
0x38: {  	s10 =	sld [smem:$0x3FB3]  }
0x39: {  	_ = 	snop;
	(pc) =	sbr.ind lr, $3  }
0x3a: {  	_ = 	snop  }
0x3b: {  	_ = 	snop  }
0x3c: {  	p2 =	seq.s32 s10, $0x1;
	s10 =	sld [smem:$0x3FB2]  }
0x3d: {  	_ =	shalt  }
0x3e: {  	_ =	shalt  }
0x3f: {  	_ =	shalt  }
0x40: {  	_ =	shalt  }
0x41: {  	_ =	shalt  }
0x42: {  	_ =	shalt  }
0x43: {  	_ =	shalt  }
0x44: {  	_ =	shalt  }
0x45: {  	_ =	shalt  }
0x46: {  	_ =	shalt  }
0x47: {  	_ =	shalt  }
0x48: {  	_ =	shalt  }
0x49: {  	_ =	shalt  }
0x4a: {  	_ =	shalt  }
0x4b: {  	_ =	shalt  }
0x4c: {  	_ =	shalt  }
0x4d: {  	_ =	shalt  }
0x4e: {  	_ =	shalt  }
0x4f: {  	_ =	shalt  }
0x50: {  	_ =	shalt  }
0x51: {  	_ =	shalt  }
0x52: {  	_ =	shalt  }
0x53: {  	_ =	shalt  }
0x54: {  	_ =	shalt  }
0x55: {  	_ =	shalt  }
0x56: {  	_ =	shalt  }
0x57: {  	_ =	shalt  }
0x58: {  	_ =	shalt  }
0x59: {  	_ =	shalt  }
0x5a: {  	_ =	shalt  }
0x5b: {  	_ =	shalt  }
0x5c: {  	_ =	shalt  }
0x5d: {  	_ =	shalt  }
0x5e: {  	_ =	shalt  }
0x5f: {  	_ =	shalt  }
0x60: {  	_ =	shalt  }
0x61: {  	_ =	shalt  }
0x62: {  	_ =	shalt  }
0x63: {  	_ =	shalt  }
0x64: {  	_ =	shalt  }
0x65: {  	_ =	shalt  }
0x66: {  	_ =	shalt  }
0x67: {  	_ =	shalt  }
0x68: {  	_ =	shalt  }
0x69: {  	_ =	shalt  }
0x6a: {  	_ =	shalt  }
0x6b: {  	_ =	shalt  }
0x6c: {  	_ =	shalt  }
0x6d: {  	_ =	shalt  }
0x6e: {  	_ =	shalt  }
0x6f: {  	_ =	shalt  }
0x70: {  	_ =	shalt  }
0x71: {  	_ =	shalt  }
0x72: {  	_ =	shalt  }
0x73: {  	_ =	shalt  }
0x74: {  	_ =	shalt  }
0x75: {  	_ =	shalt  }
0x76: {  	_ =	shalt  }
0x77: {  	_ =	shalt  }
0x78: {  	_ =	shalt  }
0x79: {  	_ =	shalt  }
0x7a: {  	_ =	shalt  }
0x7b: {  	_ =	shalt  }
0x7c: {  	_ =	shalt  }
0x7d: {  	_ =	shalt  }
0x7e: {  	_ =	shalt  }
0x7f: {  	_ =	shalt  }
0x80: {  	_ =	shalt  }
0x81: {  	_ =	shalt  }
0x82: {  	_ =	shalt  }
0x83: {  	_ =	shalt  }
0x84: {  	_ =	shalt  }
0x85: {  	_ =	shalt  }
0x86: {  	_ =	shalt  }
0x87: {  	_ =	shalt  }
.Lfunc_end0:
.L_simem_size_0:
called_computation.1_lowered:
.L_overlay_start_0:
0x88: {  	s2 =	sld [smem:$0x3FD9]  }
0x89: {  	s3 =	sld [smem:$0x3FFE];
	_ =	sdelay $0x1  }
0x8a: {  	s1 =	srdreg.scid  }
0x8b: {  	s0 =	sand.u32 $0x1, s1  }
0x8c: {  	s17 =	sshll.u32 s0, $0xA;
	s2 =	sadd.s32 s3, s2  }
0x8d: {  	s2 =	sadd.s32 s2, s17  }
0x8e: {  	[smem:$0x3FBE] =	sst s2  }
0x8f: {  	_ = 	snop  }
0x90: {  	s2 =	sld [smem:$0x3FD0];
	(tm) =	ssettm $0x1  }
0x91: {  	s18 =	sld [smem:$0x3FFB];
	_ =	sdelay $0x3  }
0x92: {  	_ =	strace s18  }
0x93: {  	s3 =	sld [smem:$0x3FFC];
	_ =	sdelay $0x3  }
0x94: {  	_ =	strace s3  }
0x95: {  	s3 =	sld [smem:$0x3FFD];
	_ =	sdelay $0x3  }
0x96: {  	_ =	strace s3  }
0x97: {  	_ =	strace $0x8FFFFFFF  }
0x98: {  	s19 =	sld [smem:$0x3FDB];
	_ =	sdelay $0x1  }
0x99: {  	s4 =	simm.s32 $_scs_section_size  }
0x9a: {  	s5 =	simm.s32 $_size__tile_overlayer_lowered;
	s6 =	simm.s32 $_tile_overlayer_lowered  }
0x9b: {  	s22 =	simm.s32 $0x1BFF;
	s21 =	sshll.u32 s6, $0x1;
	s3 =	sadd.s32 s4, s19  }
0x9c: {  	s7 =	simm.s32 $0x0;
	s20 =	sshll.u32 s5, $0x1;
	s5 =	sadd.s32 s21, s3  }
0x9d: {  	[timem:s7], [sflag:s22] =	dma.local [hbm:s5], s20  }
0x9e: {  	_ =	swait.ge [sflag:s22], s20  }
0x9f: {  	s4 =	ssub.s32 $0x0, s20;
	[sflag:s22] =	ssyncset.done $0x0  }
0xa0: {  	[sflag:s22] =	ssyncadd.s32 s4;
	_ =	sdelay $0x1  }
0xa1: {  	s23 =	simm.s32 $0x1B8B  }
0xa2: {  	_ =	swait.ge [sflag:s23], $0x1  }
0xa3: {  	[sflag:s23] =	ssyncset.done $0x0  }
0xa4: {  	s25 =	simm.s32 $0x1B8E;
	s24 =	sld [smem:$0x3FFE];
	[sflag:s23] =	ssyncadd.s32 $0xFFFFFFFF  }
0xa5: {  	s26 =	simm.s32 $execute0_lowered;
	[smem:$0x3FD2] =	sst s25  }
0xa6: {  	s5 =	sshll.u32 s26, $0x1;
	_ =	strace $0x80000049;
	[dreg:$0x1] =	wrdreg $0xFFFFFFFF  }
0xa7: {  	s28 =	simm.s32 $_size_execute0_lowered;
	s3 =	sadd.s32 s3, s5;
	[dreg:$0x0] =	wrdreg $0x0  }
0xa8: {  	s5 =	sshll.u32 s28, $0x1;
	[dreg:$0x2] =	wrdreg s3  }
0xa9: {  	[dreg:$0x3] =	wrdreg s5  }
0xaa: {  	[dreg:$0x4] =	wrdreg $0xC0  }
0xab: {  	_ =	task [dreg:s7], $0x5FFFF  }
0xac: {  	[dreg:$0x1] =	wrdreg $0xFFFFFFFF  }
0xad: {  	[dreg:$0x0] =	wrdreg $0x60  }
0xae: {  	[dreg:$0x2] =	wrdreg s24  }
0xaf: {  	[dreg:$0x3] =	wrdreg s2  }
0xb0: {  	[dreg:$0x4] =	wrdreg $0xC4000  }
0xb1: {  	[dreg:$0x5] =	wrdreg $0x9  }
0xb2: {  	_ =	task.clear_ibuf [dreg:s7], $0x6FFFF;
	_ =	strace $0x90000049  }
0xb3: {  	s29 =	simm.s32 $0x9;
	_ =	strace $0x8000004B  }
0xb4: {  	_ =	swait.ge [sflag:s29], $0x1  }
0xb5: {  	[sflag:s29] =	ssyncadd.s32 $0xFFFFFFFF  }
0xb6: {  	_ =	strace $0x9000004B  }
0xb7: {  	_ =	sfence  }
0xb8: {  	s30 =	sld [smem:$0x0];
	_ =	sdelay $0x2  }
0xb9: {  	s31 =	sshll.u32 s1, $0xD;
	s1 =	sshrl.u32 s1, $0x2  }
0xba: {  	s3 =	sand.u32 $0x4000, s31;
	s1 =	sadd.s32 s1, s30  }
0xbb: {  	s0 =	sor.u32 s3, s0;
	s1 =	sshll.u32 s1, $0x11  }
0xbc: {  	s0 =	sor.u32 s1, s0  }
0xbd: {  	s0 =	sadd.s32 $0x8F2B, s0  }
0xbe: {  	[sflag:s0] =	ssyncadd.remote.s32 $0x1  }
0xbf: {  	_ =	sfence.sel $0xFFFF  }
0xc0: {  	[dreg:$0x0] =	wrdreg $0xFFFFFFFF;
	(pc) =	sbr.abs _section_cstart, $3  }
0xc1: {  	[dreg:$0x1] =	wrdreg $0xFFFFFFFF  }
0xc2: {  	_ =	task.clear_ibuf [dreg:s7], $0x2FFFF;
	_ =	strace $0x9FFFFFFF  }
0xc3: {  	(tm) =	ssettm $0x7FFFFFFF  }
tec
execute0_lowered:
.L_overlay_start_1:
0x0: {  	(tag) =	ssettag $0x1  }
0x1: {  	s0 =	rddreg [dreg:$0x0]  }
0x2: {  	s12 =	rddreg [dreg:$0x1]  }
0x3: {  	s2 =	rddreg [dreg:$0x2]  }
0x4: {  	s3 =	simm.s32 $0x0;
	s4 =	srdreg.scid;
	s13 =	stileid.u32  }
0x5: {  	s28 =	simm.s32 $0x180;
	s29 =	simm.s32 $0x380;
	s30 =	simm.s32 $0x1  }
0x6: {  	s31 =	simm.s32 $0x60;
	[smem:$0x7FF] =	sst s3;
	s5 =	sadd.s32 $0x15C00, s0  }
0x7: {  	s1 =	sadd.s32 $0x1800, s0;
	s6 =	sadd.s32 $0xBA00, s0;
	s8 =	smul.u32 $0x4E000, s13  }
0x8: {  	s4 =	sand.u32 $0x1, s4;
	s0 =	sadd.s32 $0x3CE00, s0;
	s11 =	smul.u32 $0x2700, s13  }
0x9: {  	s20 =	sadd.s32 $0x138000, s2;
	s25 =	smul.u32 $0x13800, s13;
	p1 =	seq.s32 s13, $0xF  }
0xa: {  	p2 =	sne.s32 s13, $0xF;
	_ =	strace $0x8000004A;
	s7 =	ssub.s32 $0x2, s4  }
0xb: {  	s10 =	sshll.u32 s4, $0x4;
	[dreg:$0x8] =	wrdreg s20;
	s24 =	smul.u32 $0x138800, s4  }
0xc: {  	p0 =	sne.s32 s4, $0x0;
	s9 =	sshrl.u32 s7, $0x1;
	s18 =	sor.u32 s13, s10  }
0xd: {  	s8 =	sshrl.u32 s8, $0x2;
	s19 =	sadd.s32 s12, s11;
	s21 =	sadd.s32 s5, s11  }
0xe: {  	s11 =	simm.s32 $0x9400;
	s12 =	simm.s32 $0x6;
	s7 =	ssub.s32 s7, s9  }
0xf: {  	s8 =	sadd.s32 s8, s2;
	[dreg:$0x7] =	wrdreg s19;
	s10 =	smul.u32 $0x510, s18  }
0x10: {  	[dreg:$0x9] =	wrdreg s21;
	s9 =	smul.u32 $0x2880, s18;
	s18 =	sadd.s32 s25, s24  }
0x11: {  	s19 =	smul.u32 $0x5100, s4;
	s21 =	sshrl.u32 s24, $0x3;
	s4 =	simm.s32 $0x6400  }
0x12: {  	[dreg:$0x6] =	wrdreg s8;
	s22 =	sadd.s32 s1, s10;
	s23 =	sadd.s32 s6, s10  }
0x13: {  	s10 =	sor.u32 $0xC, s10;
	s9 =	sshrl.u32 s9, $0x3;
	[dreg:$0xa] =	wrdreg s22  }
0x14: {  	[dreg:$0xb] =	wrdreg s23;
	s26 =	sadd.s32 s1, s10;
	s14 =	sadd.s32 s6, s10  }
0x15: {  	s15 =	sadd.s32 $0x18, s9;
	s9 =	sadd.s32 $0x24, s9;
	s10 =	sshrl.u32 s18, $0x3  }
0x16: {  	s22 =	smul.u32 $0x510, s13;
	s13 =	simm.s32 $0x7;
	[dreg:$0xc] =	wrdreg s26  }
0x17: {  	[dreg:$0xd] =	wrdreg s14;
	s16 =	sadd.s32 s1, s15;
	s17 =	sadd.s32 s6, s15  }
0x18: {  	s20 =	sadd.s32 s0, s10;
	s0 =	sadd.s32 s0, s21;
	s23 =	sadd.s32 s1, s9  }
0x19: {  	s1 =	sadd.s32 s19, s1;
	s24 =	sadd.s32 s6, s9;
	[dreg:$0xe] =	wrdreg s16  }
0x1a: {  	s6 =	sadd.s32 s19, s6;
	s26 =	smax.u32 s7, $0x1;
	[dreg:$0xf] =	wrdreg s17  }
0x1b: {  	s21 =	simm.s32 $0x9;
	s7 =	simm.s32 $0x3400;
	[dreg:$0x10] =	wrdreg s20  }
0x1c: {  	s9 =	simm.s32 $0x3;
	s10 =	simm.s32 $0x4;
	[dreg:$0x11] =	wrdreg s23  }
0x1d: {  	s14 =	simm.s32 $0x8;
	s15 =	simm.s32 $0x0;
	[dreg:$0x12] =	wrdreg s24  }
0x1e: {  	s1 =	sadd.s32 s22, s1;
	s0 =	sadd.s32 $0x27000, s0;
	[dreg:$0x14] =	wrdreg s26  }
0x1f: {  	s25 =	sadd.s32 s22, s6;
	s22 =	simm.s32 $0x200;
	[dreg:$0x13] =	wrdreg s0  }
0x20: {  	s23 =	simm.s32 $0x80;
	s24 =	simm.s32 $0x280;
	[dreg:$0x4] =	wrdreg s1  }
0x21: {  	s26 =	simm.s32 $0x300;
	s6 =	simm.s32 $0x5;
	[dreg:$0x5] =	wrdreg s25  }
0x22: {  	s25 =	simm.s32 $0x100;
	s0 =	simm.s32 $0x400;
	s1 =	simm.s32 $0x2  }
.LBB2_1:
.Ltmp0:
0x23: {  	(pc) =	sbr.rel @p0 .LBB2_3-.Ltmp0, $4  }
0x24: {  	s8 =	stileid.u32  }
0x25: {  	s20 =	rddreg [dreg:$0x6];
	s16 =	sshll.u32 s8, $0x6  }
0x26: {  	s17 =	sshrl.u32 s20, $0x3;
	[dreg:$0x15] =	wrdreg s16  }
0x27: {  	s18 =	sor.u32 $0x1C09, s16;
	[dreg:$0x16] =	wrdreg s17  }
0x28: {  	s18 =	sor.u32 $0x1C09, s16;
	s8 =	rddreg [dreg:$0x9]  }
0x29: {  	[spmem:s17], [sflag:s18] =	dma.local [hbm:s8], $0x2700  }
.Ltmp1:
0x2a: {  	_ = 	snop;
	(pc) =	sbr.rel @p1 .LBB2_4-.Ltmp1, $4  }
.Ltmp2:
0x2b: {  	_ = 	snop;
	(pc) =	sbr.rel @!p1 .LBB2_5-.Ltmp2, $4  }
0x2c: {  	_ =	swait.ge [sflag:s21], $0x2700  }
0x2d: {  	[sflag:s21] =	ssyncset.done $0x0  }
0x2e: {  	s19 =	smov.u32 s5;
	[sflag:s21] =	ssyncadd.s32 $0xFFFFD900  }
0x2f: {  	_ = 	snop  }
.LBB2_3:
0x30: {  	s8 =	rddreg [dreg:$0x7]  }
0x31: {  	[spmem:s17], [sflag:s18] =	dma.local [hbm:s8], $0x2700  }
.Ltmp3:
0x32: {  	_ = 	snop;
	(pc) =	sbr.rel @p2 .LBB2_5-.Ltmp3, $4  }
0x33: {  	_ =	swait.ge [sflag:s21], $0x2700  }
0x34: {  	[sflag:s21] =	ssyncset.done $0x0  }
0x35: {  	[sflag:s21] =	ssyncadd.s32 $0xFFFFD900  }
0x36: {  	s19 =	rddreg [dreg:$0x1]  }
.LBB2_4:
0x37: {  	s8 =	rddreg [dreg:$0x8]  }
0x38: {  	s19 =	sadd.s32 $0x27000, s19;
	s20 =	sshrl.u32 s8, $0x3  }
0x39: {  	[spmem:s20], [sflag:s18] =	dma.local [hbm:s19], $0x100  }
0x3a: {  	_ =	swait.ge [sflag:s21], $0x100  }
0x3b: {  	[sflag:s21] =	ssyncset.done $0x0  }
0x3c: {  	[sflag:s21] =	ssyncadd.s32 $0xFFFFFF00  }
.LBB2_5:
0x3d: {  	s18 =	simm.s32 $0x0;
	s8 =	rddreg [dreg:$0xa]  }
0x3e: {  	[tilespmem:s18], [sflag:$0x1] =	stream.linear.gather [hbm4b:s8+s18], $0x60, $0x38;
	[tilespmem:$0x1FF80] =	vst v63  }
0x3f: {  	s17 =	rddreg [dreg:$0xb]  }
0x40: {  	[tilespmem:s22], [sflag:$0x1] =	stream.linear.gather [hbm4b:s17+s18], $0x60, $0x38;
	[tilespmem:$0x1FF80] =	vst v63  }
0x41: {  	s19 =	rddreg [dreg:$0xc]  }
0x42: {  	[tilespmem:s23], [sflag:$0x2] =	stream.linear.gather [hbm4b:s19+s18], $0x60, $0x38;
	[tilespmem:$0x1FF80] =	vst v63  }
0x43: {  	s20 =	rddreg [dreg:$0xd]  }
0x44: {  	[tilespmem:s24], [sflag:$0x2] =	stream.linear.gather [hbm4b:s20+s18], $0x60, $0x38;
	[tilespmem:$0x1FF80] =	vst v63  }
0x45: {  	s16 =	rddreg [dreg:$0xe]  }
0x46: {  	[tilespmem:s25], [sflag:$0x3] =	stream.linear.gather [hbm4b:s16+s18], $0x60, $0x38;
	[tilespmem:$0x1FF80] =	vst v63  }
0x47: {  	s17 =	rddreg [dreg:$0xf]  }
0x48: {  	[tilespmem:s26], [sflag:$0x3] =	stream.linear.gather [hbm4b:s17+s18], $0x60, $0x38;
	[tilespmem:$0x1FF80] =	vst v63  }
0x49: {  	s19 =	rddreg [dreg:$0x11]  }
0x4a: {  	[tilespmem:s28], [sflag:$0x4] =	stream.linear.gather [hbm4b:s19+s18], $0x60, $0x38;
	[tilespmem:$0x1FF80] =	vst v63  }
0x4b: {  	s20 =	rddreg [dreg:$0x12]  }
0x4c: {  	[tilespmem:s29], [sflag:$0x4] =	stream.linear.gather [hbm4b:s20+s18], $0x60, $0x38;
	[tilespmem:$0x1FF80] =	vst v63  }
0x4d: {  	_ =	swait.ge [sflag:s30], $0x60  }
0x4e: {  	[sflag:s30] =	ssyncset.done $0x0  }
0x4f: {  	[sflag:s30] =	ssyncadd.s32 $0xFFFFFFA0  }
0x50: {  	_ =	swait.ge [sflag:s30], $0x60  }
0x51: {  	[sflag:s30] =	ssyncset.done $0x0  }
0x52: {  	[sflag:s30] =	ssyncadd.s32 $0xFFFFFFA0  }
0x53: {  	[tilespmem:s0], [sflag:$0x5] =	stream.indirect.gather [hbm4b:s5+s31], $0x80, s18, s31, $0xb8;
	[tilespmem:$0x1FF80] =	vst v63  }
0x54: {  	_ =	swait.ge [sflag:s1], $0x60  }
0x55: {  	[sflag:s1] =	ssyncset.done $0x0  }
0x56: {  	[sflag:s1] =	ssyncadd.s32 $0xFFFFFFA0  }
0x57: {  	_ =	swait.ge [sflag:s1], $0x60  }
0x58: {  	[sflag:s1] =	ssyncset.done $0x0  }
0x59: {  	[sflag:s1] =	ssyncadd.s32 $0xFFFFFFA0  }
0x5a: {  	[tilespmem:s7], [sflag:$0x6] =	stream.indirect.gather [hbm4b:s5+s31], $0x80, s23, s31, $0xb8;
	[tilespmem:$0x1FF80] =	vst v63  }
0x5b: {  	_ =	swait.ge [sflag:s9], $0x60  }
0x5c: {  	[sflag:s9] =	ssyncset.done $0x0  }
0x5d: {  	[sflag:s9] =	ssyncadd.s32 $0xFFFFFFA0  }
0x5e: {  	_ =	swait.ge [sflag:s9], $0x60  }
0x5f: {  	[sflag:s9] =	ssyncset.done $0x0  }
0x60: {  	[sflag:s9] =	ssyncadd.s32 $0xFFFFFFA0  }
0x61: {  	[tilespmem:s4], [sflag:$0x7] =	stream.indirect.gather [hbm4b:s5+s31], $0x80, s25, s31, $0xb8;
	[tilespmem:$0x1FF80] =	vst v63  }
0x62: {  	[bflag:$0x0] =	sbarrier.arrive $0xFFFF  }
0x63: {  	_ =	swait.ge [sflag:s6], $0x3000  }
0x64: {  	[sflag:s6] =	ssyncset.done $0x0  }
0x65: {  	[sflag:s6] =	ssyncadd.s32 $0xFFFFD000  }
0x66: {  	[spmem:s2] =	stream.indirect.scatter.add.f32 [tilespmem:s0], [sflag:$0x9], $0x80, s22, s31, $0xb8;
	[tilespmem:$0x1FF80] =	vst v63  }
0x67: {  	_ =	swait.ge [sflag:s21], $0x3000  }
0x68: {  	[sflag:s21] =	ssyncset.done $0x0  }
0x69: {  	[sflag:s21] =	ssyncadd.s32 $0xFFFFD000  }
0x6a: {  	_ =	swait.ge [sflag:s10], $0x60  }
0x6b: {  	[sflag:s10] =	ssyncset.done $0x0  }
0x6c: {  	[sflag:s10] =	ssyncadd.s32 $0xFFFFFFA0  }
0x6d: {  	_ =	swait.ge [sflag:s10], $0x60  }
0x6e: {  	[sflag:s10] =	ssyncset.done $0x0;
	s8 =	rddreg [dreg:$0x4]  }
0x6f: {  	s19 =	rddreg [dreg:$0x5];
	[sflag:s10] =	ssyncadd.s32 $0xFFFFFFA0;
	s18 =	sadd.s32 $0x0, s8  }
0x70: {  	[tilespmem:s11], [sflag:$0x8] =	stream.indirect.gather [hbm4b:s5+s31], $0x80, s28, s31, $0xb8;
	[tilespmem:$0x1FF80] =	vst v63  }
0x71: {  	s19 =	sadd.s32 $0x0, s19;
	s20 =	sadd.s32 $0x30, s18  }
0x72: {  	[tilespmem:s3], [sflag:$0x1] =	stream.linear.gather [hbm4b:s20+s3], $0x60, $0x38;
	[tilespmem:$0x1FF80] =	vst v63  }
0x73: {  	s16 =	sadd.s32 $0x30, s19  }
0x74: {  	[tilespmem:s22], [sflag:$0x1] =	stream.linear.gather [hbm4b:s16+s3], $0x60, $0x38;
	[tilespmem:$0x1FF80] =	vst v63  }
0x75: {  	_ =	swait.ge [sflag:s12], $0x3000  }
0x76: {  	[sflag:s12] =	ssyncset.done $0x0  }
0x77: {  	[sflag:s12] =	ssyncadd.s32 $0xFFFFD000  }
0x78: {  	[spmem:s2] =	stream.indirect.scatter.add.f32 [tilespmem:s7], [sflag:$0x9], $0x80, s24, s31, $0xb8;
	[tilespmem:$0x1FF80] =	vst v63  }
0x79: {  	_ =	swait.ge [sflag:s21], $0x3000  }
0x7a: {  	[sflag:s21] =	ssyncset.done $0x0  }
0x7b: {  	[sflag:s21] =	ssyncadd.s32 $0xFFFFD000  }
0x7c: {  	_ =	swait.ge [sflag:s30], $0x60  }
0x7d: {  	[sflag:s30] =	ssyncset.done $0x0  }
0x7e: {  	[sflag:s30] =	ssyncadd.s32 $0xFFFFFFA0  }
0x7f: {  	_ =	swait.ge [sflag:s30], $0x60  }
0x80: {  	[sflag:s30] =	ssyncset.done $0x0  }
0x81: {  	[sflag:s30] =	ssyncadd.s32 $0xFFFFFFA0  }
0x82: {  	[tilespmem:s0], [sflag:$0x5] =	stream.indirect.gather [hbm4b:s5+s31], $0x80, s3, s31, $0xb8;
	[tilespmem:$0x1FF80] =	vst v63  }
0x83: {  	s17 =	sadd.s32 $0x3C, s18  }
0x84: {  	[tilespmem:s23], [sflag:$0x2] =	stream.linear.gather [hbm4b:s17+s3], $0x60, $0x38;
	[tilespmem:$0x1FF80] =	vst v63  }
0x85: {  	s8 =	sadd.s32 $0x3C, s19  }
0x86: {  	[tilespmem:s24], [sflag:$0x2] =	stream.linear.gather [hbm4b:s8+s3], $0x60, $0x38;
	[tilespmem:$0x1FF80] =	vst v63  }
0x87: {  	_ =	swait.ge [sflag:s13], $0x3000  }
0x88: {  	[sflag:s13] =	ssyncset.done $0x0  }
0x89: {  	[sflag:s13] =	ssyncadd.s32 $0xFFFFD000  }
0x8a: {  	[spmem:s2] =	stream.indirect.scatter.add.f32 [tilespmem:s4], [sflag:$0x9], $0x80, s26, s31, $0xb8;
	[tilespmem:$0x1FF80] =	vst v63  }
0x8b: {  	_ =	swait.ge [sflag:s21], $0x3000  }
0x8c: {  	[sflag:s21] =	ssyncset.done $0x0  }
0x8d: {  	[sflag:s21] =	ssyncadd.s32 $0xFFFFD000  }
0x8e: {  	_ =	swait.ge [sflag:s1], $0x60  }
0x8f: {  	[sflag:s1] =	ssyncset.done $0x0  }
0x90: {  	[sflag:s1] =	ssyncadd.s32 $0xFFFFFFA0  }
0x91: {  	_ =	swait.ge [sflag:s1], $0x60  }
0x92: {  	[sflag:s1] =	ssyncset.done $0x0  }
0x93: {  	[sflag:s1] =	ssyncadd.s32 $0xFFFFFFA0  }
0x94: {  	[tilespmem:s7], [sflag:$0x6] =	stream.indirect.gather [hbm4b:s5+s31], $0x80, s23, s31, $0xb8;
	[tilespmem:$0x1FF80] =	vst v63  }
0x95: {  	s16 =	sadd.s32 $0x48, s18  }
0x96: {  	[tilespmem:s25], [sflag:$0x3] =	stream.linear.gather [hbm4b:s16+s3], $0x60, $0x38;
	[tilespmem:$0x1FF80] =	vst v63  }
0x97: {  	s17 =	sadd.s32 $0x48, s19  }
0x98: {  	[tilespmem:s26], [sflag:$0x3] =	stream.linear.gather [hbm4b:s17+s3], $0x60, $0x38;
	[tilespmem:$0x1FF80] =	vst v63  }
0x99: {  	_ =	swait.ge [sflag:s14], $0x3000  }
0x9a: {  	[sflag:s14] =	ssyncset.done $0x0  }
0x9b: {  	[sflag:s14] =	ssyncadd.s32 $0xFFFFD000  }
0x9c: {  	[spmem:s2] =	stream.indirect.scatter.add.f32 [tilespmem:s11], [sflag:$0x9], $0x80, s29, s31, $0xb8;
	[tilespmem:$0x1FF80] =	vst v63  }
0x9d: {  	_ =	swait.ge [sflag:s21], $0x3000  }
0x9e: {  	[sflag:s21] =	ssyncset.done $0x0  }
0x9f: {  	[sflag:s21] =	ssyncadd.s32 $0xFFFFD000  }
0xa0: {  	_ =	swait.ge [sflag:s9], $0x60  }
0xa1: {  	[sflag:s9] =	ssyncset.done $0x0  }
0xa2: {  	[sflag:s9] =	ssyncadd.s32 $0xFFFFFFA0  }
0xa3: {  	_ =	swait.ge [sflag:s9], $0x60  }
0xa4: {  	[sflag:s9] =	ssyncset.done $0x0  }
0xa5: {  	[sflag:s9] =	ssyncadd.s32 $0xFFFFFFA0  }
0xa6: {  	[tilespmem:s4], [sflag:$0x7] =	stream.indirect.gather [hbm4b:s5+s31], $0x80, s25, s31, $0xb8;
	[tilespmem:$0x1FF80] =	vst v63  }
0xa7: {  	s18 =	sadd.s32 $0x54, s18  }
0xa8: {  	[tilespmem:s28], [sflag:$0x4] =	stream.linear.gather [hbm4b:s18+s3], $0x60, $0x38;
	[tilespmem:$0x1FF80] =	vst v63  }
0xa9: {  	s19 =	sadd.s32 $0x54, s19;
	s18 =	simm.s32 $0x30  }
.LBB2_6:
0xaa: {  	[tilespmem:s29], [sflag:$0x4] =	stream.linear.gather [hbm4b:s19+s3], $0x60, $0x38;
	[tilespmem:$0x1FF80] =	vst v63  }
0xab: {  	_ =	swait.ge [sflag:s6], $0x3000  }
0xac: {  	[sflag:s6] =	ssyncset.done $0x0  }
0xad: {  	[sflag:s6] =	ssyncadd.s32 $0xFFFFD000  }
0xae: {  	[spmem:s2] =	stream.indirect.scatter.add.f32 [tilespmem:s0], [sflag:$0x9], $0x80, s22, s31, $0xb8;
	[tilespmem:$0x1FF80] =	vst v63  }
0xaf: {  	_ =	swait.ge [sflag:s21], $0x3000  }
0xb0: {  	[sflag:s21] =	ssyncset.done $0x0  }
0xb1: {  	[sflag:s21] =	ssyncadd.s32 $0xFFFFD000  }
0xb2: {  	_ =	swait.ge [sflag:s10], $0x60  }
0xb3: {  	[sflag:s10] =	ssyncset.done $0x0  }
0xb4: {  	[sflag:s10] =	ssyncadd.s32 $0xFFFFFFA0  }
0xb5: {  	_ =	swait.ge [sflag:s10], $0x60  }
0xb6: {  	s8 =	smov.u32 s18;
	[sflag:s10] =	ssyncset.done $0x0;
	s20 =	rddreg [dreg:$0x4]  }
0xb7: {  	s17 =	rddreg [dreg:$0x5];
	[sflag:s10] =	ssyncadd.s32 $0xFFFFFFA0;
	s20 =	sadd.s32 s8, s20  }
0xb8: {  	[tilespmem:s11], [sflag:$0x8] =	stream.indirect.gather [hbm4b:s5+s31], $0x80, s28, s31, $0xb8;
	[tilespmem:$0x1FF80] =	vst v63  }
0xb9: {  	s19 =	sadd.s32 s8, s17;
	s16 =	sadd.s32 $0x30, s20  }
0xba: {  	[tilespmem:s3], [sflag:$0x1] =	stream.linear.gather [hbm4b:s16+s3], $0x60, $0x38;
	[tilespmem:$0x1FF80] =	vst v63  }
0xbb: {  	s8 =	sadd.s32 $0x30, s19  }
0xbc: {  	[tilespmem:s22], [sflag:$0x1] =	stream.linear.gather [hbm4b:s8+s3], $0x60, $0x38;
	[tilespmem:$0x1FF80] =	vst v63  }
0xbd: {  	_ =	swait.ge [sflag:s12], $0x3000  }
0xbe: {  	[sflag:s12] =	ssyncset.done $0x0  }
0xbf: {  	[sflag:s12] =	ssyncadd.s32 $0xFFFFD000  }
0xc0: {  	[spmem:s2] =	stream.indirect.scatter.add.f32 [tilespmem:s7], [sflag:$0x9], $0x80, s24, s31, $0xb8;
	[tilespmem:$0x1FF80] =	vst v63  }
0xc1: {  	_ =	swait.ge [sflag:s21], $0x3000  }
0xc2: {  	[sflag:s21] =	ssyncset.done $0x0  }
0xc3: {  	[sflag:s21] =	ssyncadd.s32 $0xFFFFD000  }
0xc4: {  	_ =	swait.ge [sflag:s30], $0x60  }
0xc5: {  	[sflag:s30] =	ssyncset.done $0x0  }
0xc6: {  	[sflag:s30] =	ssyncadd.s32 $0xFFFFFFA0  }
0xc7: {  	_ =	swait.ge [sflag:s30], $0x60  }
0xc8: {  	[sflag:s30] =	ssyncset.done $0x0  }
0xc9: {  	[sflag:s30] =	ssyncadd.s32 $0xFFFFFFA0  }
0xca: {  	[tilespmem:s0], [sflag:$0x5] =	stream.indirect.gather [hbm4b:s5+s31], $0x80, s3, s31, $0xb8;
	[tilespmem:$0x1FF80] =	vst v63  }
0xcb: {  	s16 =	sadd.s32 $0x3C, s20  }
0xcc: {  	[tilespmem:s23], [sflag:$0x2] =	stream.linear.gather [hbm4b:s16+s3], $0x60, $0x38;
	[tilespmem:$0x1FF80] =	vst v63  }
0xcd: {  	s17 =	sadd.s32 $0x3C, s19  }
0xce: {  	[tilespmem:s24], [sflag:$0x2] =	stream.linear.gather [hbm4b:s17+s3], $0x60, $0x38;
	[tilespmem:$0x1FF80] =	vst v63  }
0xcf: {  	_ =	swait.ge [sflag:s13], $0x3000  }
0xd0: {  	[sflag:s13] =	ssyncset.done $0x0  }
0xd1: {  	[sflag:s13] =	ssyncadd.s32 $0xFFFFD000  }
0xd2: {  	[spmem:s2] =	stream.indirect.scatter.add.f32 [tilespmem:s4], [sflag:$0x9], $0x80, s26, s31, $0xb8;
	[tilespmem:$0x1FF80] =	vst v63  }
0xd3: {  	_ =	swait.ge [sflag:s21], $0x3000  }
0xd4: {  	[sflag:s21] =	ssyncset.done $0x0  }
0xd5: {  	[sflag:s21] =	ssyncadd.s32 $0xFFFFD000  }
0xd6: {  	_ =	swait.ge [sflag:s1], $0x60  }
0xd7: {  	[sflag:s1] =	ssyncset.done $0x0  }
0xd8: {  	[sflag:s1] =	ssyncadd.s32 $0xFFFFFFA0  }
0xd9: {  	_ =	swait.ge [sflag:s1], $0x60  }
0xda: {  	[sflag:s1] =	ssyncset.done $0x0  }
0xdb: {  	[sflag:s1] =	ssyncadd.s32 $0xFFFFFFA0  }
0xdc: {  	[tilespmem:s7], [sflag:$0x6] =	stream.indirect.gather [hbm4b:s5+s31], $0x80, s23, s31, $0xb8;
	[tilespmem:$0x1FF80] =	vst v63  }
0xdd: {  	s16 =	sadd.s32 $0x48, s20  }
0xde: {  	[tilespmem:s25], [sflag:$0x3] =	stream.linear.gather [hbm4b:s16+s3], $0x60, $0x38;
	[tilespmem:$0x1FF80] =	vst v63  }
0xdf: {  	s17 =	sadd.s32 $0x48, s19  }
0xe0: {  	[tilespmem:s26], [sflag:$0x3] =	stream.linear.gather [hbm4b:s17+s3], $0x60, $0x38;
	[tilespmem:$0x1FF80] =	vst v63  }
0xe1: {  	_ =	swait.ge [sflag:s14], $0x3000  }
0xe2: {  	[sflag:s14] =	ssyncset.done $0x0  }
0xe3: {  	[sflag:s14] =	ssyncadd.s32 $0xFFFFD000  }
0xe4: {  	[spmem:s2] =	stream.indirect.scatter.add.f32 [tilespmem:s11], [sflag:$0x9], $0x80, s29, s31, $0xb8;
	[tilespmem:$0x1FF80] =	vst v63  }
0xe5: {  	_ =	swait.ge [sflag:s21], $0x3000  }
0xe6: {  	[sflag:s21] =	ssyncset.done $0x0  }
0xe7: {  	[sflag:s21] =	ssyncadd.s32 $0xFFFFD000  }
0xe8: {  	_ =	swait.ge [sflag:s9], $0x60  }
0xe9: {  	[sflag:s9] =	ssyncset.done $0x0  }
0xea: {  	[sflag:s9] =	ssyncadd.s32 $0xFFFFFFA0  }
0xeb: {  	p3 =	sne.s32 s18, $0x4B0;
	_ =	swait.ge [sflag:s9], $0x60  }
.Ltmp4:
0xec: {  	[sflag:s9] =	ssyncset.done $0x0;
	(pc) =	sbr.rel @p3 .LBB2_6-.Ltmp4, $4  }
0xed: {  	[sflag:s9] =	ssyncadd.s32 $0xFFFFFFA0  }
0xee: {  	[tilespmem:s4], [sflag:$0x7] =	stream.indirect.gather [hbm4b:s5+s31], $0x80, s25, s31, $0xb8;
	[tilespmem:$0x1FF80] =	vst v63  }
0xef: {  	s18 =	sadd.s32 $0x30, s18;
	s20 =	sadd.s32 $0x54, s20;
	s19 =	sadd.s32 $0x54, s19  }
0xf0: {  	[tilespmem:s28], [sflag:$0x4] =	stream.linear.gather [hbm4b:s20+s3], $0x60, $0x38;
	[tilespmem:$0x1FF80] =	vst v63  }
0xf1: {  	[tilespmem:s29], [sflag:$0x4] =	stream.linear.gather [hbm4b:s19+s3], $0x60, $0x38;
	[tilespmem:$0x1FF80] =	vst v63  }
0xf2: {  	_ =	swait.ge [sflag:s6], $0x3000  }
0xf3: {  	[sflag:s6] =	ssyncset.done $0x0  }
0xf4: {  	[sflag:s6] =	ssyncadd.s32 $0xFFFFD000  }
0xf5: {  	[spmem:s2] =	stream.indirect.scatter.add.f32 [tilespmem:s0], [sflag:$0x9], $0x80, s22, s31, $0xb8;
	[tilespmem:$0x1FF80] =	vst v63  }
0xf6: {  	_ =	swait.ge [sflag:s21], $0x3000  }
0xf7: {  	[sflag:s21] =	ssyncset.done $0x0  }
0xf8: {  	[sflag:s21] =	ssyncadd.s32 $0xFFFFD000  }
0xf9: {  	_ =	swait.ge [sflag:s10], $0x60  }
0xfa: {  	[sflag:s10] =	ssyncset.done $0x0  }
0xfb: {  	[sflag:s10] =	ssyncadd.s32 $0xFFFFFFA0  }
0xfc: {  	_ =	swait.ge [sflag:s10], $0x60  }
0xfd: {  	[sflag:s10] =	ssyncset.done $0x0  }
0xfe: {  	[sflag:s10] =	ssyncadd.s32 $0xFFFFFFA0  }
0xff: {  	[tilespmem:s11], [sflag:$0x8] =	stream.indirect.gather [hbm4b:s5+s31], $0x80, s28, s31, $0xb8;
	[tilespmem:$0x1FF80] =	vst v63  }
0x100: {  	_ =	swait.ge [sflag:s12], $0x3000  }
0x101: {  	[sflag:s12] =	ssyncset.done $0x0  }
0x102: {  	[sflag:s12] =	ssyncadd.s32 $0xFFFFD000  }
0x103: {  	[spmem:s2] =	stream.indirect.scatter.add.f32 [tilespmem:s7], [sflag:$0x9], $0x80, s24, s31, $0xb8;
	[tilespmem:$0x1FF80] =	vst v63  }
0x104: {  	_ =	swait.ge [sflag:s21], $0x3000  }
0x105: {  	[sflag:s21] =	ssyncset.done $0x0  }
0x106: {  	[sflag:s21] =	ssyncadd.s32 $0xFFFFD000  }
0x107: {  	_ =	swait.ge [sflag:s13], $0x3000  }
0x108: {  	[sflag:s13] =	ssyncset.done $0x0  }
0x109: {  	[sflag:s13] =	ssyncadd.s32 $0xFFFFD000  }
0x10a: {  	[spmem:s2] =	stream.indirect.scatter.add.f32 [tilespmem:s4], [sflag:$0x9], $0x80, s26, s31, $0xb8;
	[tilespmem:$0x1FF80] =	vst v63  }
0x10b: {  	_ =	swait.ge [sflag:s21], $0x3000  }
0x10c: {  	[sflag:s21] =	ssyncset.done $0x0  }
0x10d: {  	[sflag:s21] =	ssyncadd.s32 $0xFFFFD000  }
0x10e: {  	_ =	swait.ge [sflag:s14], $0x3000  }
0x10f: {  	[sflag:s14] =	ssyncset.done $0x0  }
0x110: {  	[sflag:s14] =	ssyncadd.s32 $0xFFFFD000  }
0x111: {  	[spmem:s2] =	stream.indirect.scatter.add.f32 [tilespmem:s11], [sflag:$0x9], $0x80, s29, s31, $0xb8;
	[tilespmem:$0x1FF80] =	vst v63  }
0x112: {  	_ =	swait.ge [sflag:s21], $0x3000  }
0x113: {  	[sflag:s21] =	ssyncset.done $0x0  }
0x114: {  	[sflag:s21] =	ssyncadd.s32 $0xFFFFD000  }
0x115: {  	[bflag:$0x0] =	sbarrier.arrive $0xFFFF  }
0x116: {  	s8 =	rddreg [dreg:$0x15]  }
0x117: {  	s16 =	rddreg [dreg:$0x10]  }
0x118: {  	s17 =	rddreg [dreg:$0x16];
	s8 =	sor.u32 $0x1C09, s8  }
0x119: {  	[hbm:s16], [sflag:s8] =	dma.local [spmem:s17], $0x2700  }
0x11a: {  	_ =	swait.ge [sflag:s21], $0x2700  }
0x11b: {  	[sflag:s21] =	ssyncset.done $0x0;
	s16 =	rddreg [dreg:$0x8]  }
0x11c: {  	s17 =	rddreg [dreg:$0x13];
	[sflag:s21] =	ssyncadd.s32 $0xFFFFD900;
	s16 =	sshrl.u32 @!p2 s16, $0x3  }
0x11d: {  	[hbm:s17], [sflag:s8] =	dma.local @!p2 [spmem:s16], $0x100  }
0x11e: {  	s8 =	simm.s32 @!p2 $0x9  }
0x11f: {  	_ =	swait.ge @!p2 [sflag:s8], $0x100  }
0x120: {  	s15 =	sadd.s32 $0x1, s15;
	s20 =	rddreg [dreg:$0x14]  }
0x121: {  	p3 =	sne.s32 s15, s20  }
.Ltmp5:
0x122: {  	_ = 	snop;
	(pc) =	sbr.rel @p3 .LBB2_1-.Ltmp5, $3  }
0x123: {  	_ =	sdelay $0x1  }
0x124: {  	[sflag:s8] =	ssyncset.done @!p2 $0x0  }
0x125: {  	[sflag:s8] =	ssyncadd.s32 @!p2 $0xFFFFFF00  }
0x126: {  	_ =	sfence.sel $0x180000  }
0x127: {  	[bflag:$0x0] =	sbarrier.arrive $0xFFFF  }
0x128: {  	_ =	strace $0x9000004A  }
0x129: {  	s0 =	stileid.u32;
	[bflag:$0x2] =	sbarrier.arrive $0xFFFF  }
0x12a: {  	p0 =	sne.s32 s0, $0x0;
	s0 =	rddreg [dreg:$0x3]  }
0x12b: {  	s0 =	sadd.s32 @!p0 $0x100000, s0  }
0x12c: {  	[sflag:s0] =	ssyncadd.tile.s32 @!p0 $0x1;
	_ =	shalt  }
.Lfunc_end2:
_tile_overlayer_lowered:
.L_overlay_start_2:
0x12d: {  	(tag) =	ssettag $0x2  }
0x12e: {  	s0 =	rddreg [dreg:$0x0];
	s2 =	stileid.u32  }
0x12f: {  	s1 =	rddreg [dreg:$0x1];
	p0 =	sne.s32 s2, $0x0  }
0x130: {  	s3 =	rddreg [dreg:$0x2];
	[bflag:$0x3] =	sbarrier.arrive $0xFFFF;
	s2 =	simm.s32 @!p0 $0x1C09  }
0x131: {  	[timem:s3], [sflag:s2] =	dma.local @!p0 [hbm:s0], s1  }
0x132: {  	s0 =	simm.s32 @!p0 $0x9  }
0x133: {  	_ =	swait.ge @!p0 [sflag:s0], s1  }
0x134: {  	s1 =	ssub.s32 @!p0 $0x0, s1;
	[sflag:s0] =	ssyncset.done @!p0 $0x0  }
0x135: {  	[sflag:s0] =	ssyncadd.s32 @!p0 s1  }
0x136: {  	[bflag:$0x3] =	sbarrier.arrive $0xFFFF  }
0x137: {  	_ =	shalt  }

</sc_bundles>
